<compile_context>
chip_gen: v7x
topology: tpu7x:2x2x1
jax: 0.10.2.dev20260603
libtpu: 0.0.44.dev20260713+nightly
codegen_flags: <defaults>
</compile_context>

<pallas_src>
import functools

import jax
import jax.numpy as jnp
from jax import lax
from jax.experimental import pallas as pl
from jax.experimental.pallas import tpu as pltpu
from jax.experimental.pallas import tpu_sc as plsc

_B, _T, _C, _H, _E = 1, 2048, 768, 768, 8

_G = 128
_NB = _T // _G + _E
_TPAD = _NB * _G
_NC, _NS = 2, 16
_NW = _NC * _NS
_CHUNK = _TPAD // _NW
_TCH = _T // _NW


def _gate_body(x_ref, wrt_ref, wg_ref, scx_ref, pp_ref, eid_ref):
    xg = x_ref[...]
    g = jnp.dot(xg, wrt_ref[...], preferred_element_type=jnp.float32)
    wgv = wg_ref[...]
    nrm = jnp.sqrt(jnp.sum(wgv * wgv, axis=1, keepdims=True))
    wgr = (1.5 / jnp.maximum(nrm, 1e-12)) * wgv
    nrm2 = jnp.sqrt(jnp.sum(wgr * wgr, axis=1, keepdims=True))
    wgn = wgr / jnp.maximum(nrm2, 1e-4)
    logits = lax.dot_general(g, wgn, (((1,), (1,)), ((), ())),
                             preferred_element_type=jnp.float32)
    m = jnp.max(logits, axis=1, keepdims=True)
    p = jnp.exp(logits - m)
    gates = p / jnp.sum(p, axis=1, keepdims=True)
    mx = jnp.max(gates, axis=1, keepdims=True)
    ii = lax.broadcasted_iota(jnp.int32, (_T, _E), 1)
    cand = jnp.where(gates >= mx, ii, _E)
    idxc = jnp.min(cand, axis=1, keepdims=True)
    scx_ref[...] = jnp.broadcast_to(mx, (_T, 128))

    oh = (idxc == ii).astype(jnp.float32)
    rr = lax.broadcasted_iota(jnp.int32, (_G, _G), 0)
    cc = lax.broadcasted_iota(jnp.int32, (_G, _G), 1)
    tri = (rr >= cc).astype(jnp.float32)
    carry = jnp.zeros((1, _E), jnp.float32)
    for k in range(_T // _G):
        ohk = oh[k * _G:(k + 1) * _G, :]
        csk = jnp.dot(tri, ohk, preferred_element_type=jnp.float32) + carry
        carry = csk[_G - 1:_G, :]
        pp_ref[pl.ds(k * _G, _G), :] = (
            jnp.sum(ohk * csk, axis=1, keepdims=True).astype(jnp.int32))
    counts = carry[0:1, :]
    ntiles = jnp.floor((counts + (_G - 1)) * (1.0 / _G))
    ute = (lax.broadcasted_iota(jnp.int32, (_E, _E), 0)
           <= lax.broadcasted_iota(jnp.int32, (_E, _E), 1)).astype(jnp.float32)
    cumblk = jnp.dot(ntiles, ute, preferred_element_type=jnp.float32)
    pad_start = (cumblk - ntiles) * _G
    base = jnp.sum(oh * pad_start, axis=1, keepdims=True)
    pp_ref[...] = pp_ref[...] + base.astype(jnp.int32) - 1
    bj = lax.broadcasted_iota(jnp.int32, (_NB, _E), 0).astype(jnp.float32)
    cmp = (bj >= jnp.broadcast_to(cumblk, (_NB, _E))).astype(jnp.int32)
    eid_ref[...] = jnp.minimum(jnp.sum(cmp, axis=1, keepdims=True), _E - 1)


def _gate(x2, w_redT, wg):
    return pl.pallas_call(
        _gate_body,
        out_shape=[jax.ShapeDtypeStruct((_T, 128), jnp.float32),
                   jax.ShapeDtypeStruct((_T, 1), jnp.int32),
                   jax.ShapeDtypeStruct((_NB, 1), jnp.int32)],
    )(x2, w_redT, wg)


@functools.lru_cache(maxsize=1)
def _sc_kernels():
    mesh = plsc.VectorSubcoreMesh(core_axis_name="c", subcore_axis_name="s",
                                  num_cores=_NC, num_subcores=_NS)

    @functools.partial(
        pl.kernel,
        out_type=[jax.ShapeDtypeStruct((_TPAD, _C), jnp.float32),
                  jax.ShapeDtypeStruct((_TPAD, 128), jnp.float32)],
        mesh=mesh,
        scratch_types=[
            pltpu.VMEM((_TCH,), jnp.int32),
            pltpu.VMEM((_TCH, _C), jnp.float32),
            pltpu.VMEM((_TCH, 128), jnp.float32),
            pltpu.SemaphoreType.DMA,
            pltpu.SemaphoreType.DMA,
        ],
    )
    def sc_dispatch(x_hbm, scx_hbm, ppos_hbm, xs_hbm, ss_hbm,
                    pos_v, rows_v, srows_v, sem, sem2):
        wid = lax.axis_index("s") * _NC + lax.axis_index("c")
        base = wid * _TCH
        pltpu.sync_copy(ppos_hbm.at[pl.ds(base, _TCH)], pos_v)
        pltpu.sync_copy(x_hbm.at[pl.ds(base, _TCH)], rows_v)
        pltpu.sync_copy(scx_hbm.at[pl.ds(base, _TCH)], srows_v)
        cp1 = pltpu.async_copy(rows_v, xs_hbm.at[pos_v], sem)
        cp2 = pltpu.async_copy(srows_v, ss_hbm.at[pos_v], sem2)
        cp1.wait()
        cp2.wait()

    @functools.partial(
        pl.kernel,
        out_type=jax.ShapeDtypeStruct((_T + 8, _C), jnp.float32),
        mesh=mesh,
        scratch_types=[
            pltpu.VMEM((_CHUNK,), jnp.int32),
            pltpu.VMEM((_CHUNK, _C), jnp.float32),
            pltpu.SemaphoreType.DMA,
        ],
    )
    def sc_scatter(ys_hbm, sctidx_hbm, out_hbm, idx_v, rows_v, sem):
        wid = lax.axis_index("s") * _NC + lax.axis_index("c")
        base = wid * _CHUNK
        pltpu.sync_copy(sctidx_hbm.at[pl.ds(base, _CHUNK)], idx_v)
        pltpu.sync_copy(ys_hbm.at[pl.ds(base, _CHUNK)], rows_v)
        pltpu.async_copy(rows_v, out_hbm.at[idx_v], sem).wait()

    return sc_dispatch, sc_scatter


def _sc_dispatch(x2, scx, ppos):
    return _sc_kernels()[0](x2, scx, ppos)


def _sc_scatter(ys, sctidx):
    return _sc_kernels()[1](ys, sctidx)


def _gelu(h):
    z = h * 0.7071067811865476
    a = jnp.abs(z)
    t = 1.0 / (1.0 + 0.3275911 * a)
    poly = t * (0.254829592 + t * (-0.284496736 + t * (1.421413741
               + t * (-1.453152027 + t * 1.061405429))))
    erf_a = 1.0 - poly * jnp.exp(-a * a)
    erf_z = jnp.where(z < 0.0, -erf_a, erf_a)
    return 0.5 * h * (1.0 + erf_z)


def _ffn_body(eid_ref, xs_ref, w1_ref, b1_ref, w2_ref, b2_ref, ss_ref, out_ref):
    del eid_ref
    xb = xs_ref[...].astype(jnp.bfloat16)
    h = jnp.dot(xb, w1_ref[0].astype(jnp.bfloat16),
                preferred_element_type=jnp.float32) + b1_ref[0]
    h = _gelu(h)
    y = jnp.dot(h.astype(jnp.bfloat16), w2_ref[0].astype(jnp.bfloat16),
                preferred_element_type=jnp.float32) + b2_ref[0]
    out_ref[...] = y * ss_ref[...]


def _ffn(blk_eid, xs, W1, b1r, W2, b2r, ss2):
    grid_spec = pltpu.PrefetchScalarGridSpec(
        num_scalar_prefetch=1,
        grid=(_NB,),
        in_specs=[
            pl.BlockSpec((_G, _C), lambda i, eid: (i, 0)),
            pl.BlockSpec((1, _C, _H), lambda i, eid: (eid[i], 0, 0)),
            pl.BlockSpec((1, 1, _H), lambda i, eid: (eid[i], 0, 0)),
            pl.BlockSpec((1, _H, _C), lambda i, eid: (eid[i], 0, 0)),
            pl.BlockSpec((1, 1, _C), lambda i, eid: (eid[i], 0, 0)),
            pl.BlockSpec((_G, 1), lambda i, eid: (i, 0)),
        ],
        out_specs=pl.BlockSpec((_G, _C), lambda i, eid: (i, 0)),
    )
    return pl.pallas_call(
        _ffn_body,
        grid_spec=grid_spec,
        out_shape=jax.ShapeDtypeStruct((_TPAD, _C), jnp.float32),
        compiler_params=pltpu.CompilerParams(
            dimension_semantics=("arbitrary",)),
    )(blk_eid, xs, W1, b1r, W2, b2r, ss2)


def kernel(x, w_red, wg, W1, b1, W2, b2):
    Bx, Tx, Cx = x.shape
    x2 = x.reshape(Tx, Cx)

    scx, ppos2, blk_eid2 = _gate(x2, w_red.T, wg)
    ppos = ppos2[:, 0]

    i32 = jnp.int32
    tok = jnp.arange(_T, dtype=i32)
    trash = _T + (jnp.arange(_TPAD, dtype=i32) % 8)
    sctidx = trash.at[ppos].set(tok, unique_indices=True,
                                mode="promise_in_bounds")

    xs, ss = _sc_dispatch(x2, scx, ppos)
    ys = _ffn(blk_eid2[:, 0], xs, W1, b1.reshape(_E, 1, _H), W2,
              b2.reshape(_E, 1, _C), ss[:, :1])
    out_pad = _sc_scatter(ys, sctidx)

    out = out_pad[:_T].reshape(Bx, Tx, Cx)
    return (out, jnp.sum(out))

# --- scband reference (transcript-rebuilt; emitter-appended) ---
"""Pipeline reference for scband-mo-eblock-76596446757300 (READ-ONLY COPY).

The authoritative reference and input builder live on the scoring server;
editing this copy changes nothing except your own understanding.
"""

import jax, jax.numpy as jnp
import numpy as np

B, T, C, H, E = 1, 2048, 768, 768, 8

def setup_inputs(seed: int = 0) -> dict:
    key = jax.random.key(seed)
    ks = jax.random.split(key, 7)
    x = jax.random.normal(ks[0], (B, T, C), dtype=jnp.float32)
    w_red = jax.random.normal(ks[1], (16, C), dtype=jnp.float32) * 0.02   # wg_reduction.weight [16, C]
    wg = jax.random.normal(ks[2], (E, 16), dtype=jnp.float32) * 0.32      # orthogonal-init gate prototypes
    W1 = jax.random.normal(ks[3], (E, C, H), dtype=jnp.float32) * 0.02
    b1 = jax.random.normal(ks[4], (E, H), dtype=jnp.float32) * 0.01
    W2 = jax.random.normal(ks[5], (E, H, C), dtype=jnp.float32) * 0.02
    b2 = jax.random.normal(ks[6], (E, C), dtype=jnp.float32) * 0.01
    return {"x": x, "w_red": w_red, "wg": wg, "W1": W1, "b1": b1, "W2": W2, "b2": b2}

def reference(x, w_red, wg, W1, b1, W2, b2):
    Bx, Tx, Cx = x.shape
    xf = x.reshape(-1, Cx)
    # MoEGate: reduce to 16 dims, renorm wg rows to 1.5 (no-grad in torch), cosine logits
    g = xf @ w_red.T
    norm = jnp.linalg.norm(wg, axis=1, keepdims=True)
    wg_r = jax.lax.stop_gradient(1.5 / jnp.maximum(norm, 1e-12)) * wg
    wg_n = wg_r / jnp.maximum(jnp.linalg.norm(wg_r, axis=1, keepdims=True), 1e-4)
    logits = g @ wg_n.T
    # top-1 routing
    gates = jax.nn.softmax(logits, axis=1)
    scores = jnp.max(gates, axis=1)
    idx = jnp.argmax(gates, axis=1)
    # MoERuntimeExperts: per-token bmm with weight[indices]; computed equivalently as
    # per-expert matmuls masked by the routing assignment (same math as torch bmm gather)
    nE = W1.shape[0]
    out = jnp.zeros_like(xf)
    for e in range(nE):
        h = jax.nn.gelu(xf @ W1[e] + b1[e], approximate=False)
        y = h @ W2[e] + b2[e]
        out = out + jnp.where((idx == e)[:, None], y, 0.0)
    out = out * scores[:, None]
    out = out.reshape(Bx, Tx, Cx)
    return (out, jnp.sum(out))

if __name__ == "__main__":
    import jax
    _d = setup_inputs()
    print(jax.jit(kernel)(*tuple(_d.values())))

</pallas_src>

<mosaic_0001>
#map = affine_map<(d0, d1) -> (0, 0)>
#map1 = affine_map<(d0, d1) -> (0)>
module attributes {stable_mosaic.version = 14 : i64} {
  func.func @sc_dispatch(%arg0: i32, %arg1: i32, %arg2: memref<2048x768xf32, #tpu.memory_space<hbm>>, %arg3: memref<2048x128xf32, #tpu.memory_space<hbm>>, %arg4: memref<2048xi32, #tpu.memory_space<hbm>>, %arg5: memref<3072x768xf32, #tpu.memory_space<hbm>>, %arg6: memref<3072x128xf32, #tpu.memory_space<hbm>>, %arg7: memref<64xi32, #tpu.memory_space<vmem>>, %arg8: memref<64x768xf32, #tpu.memory_space<vmem>>, %arg9: memref<64x128xf32, #tpu.memory_space<vmem>>, %arg10: memref<!tpu.dma_semaphore, #tpu.memory_space<semaphore_mem>>, %arg11: memref<!tpu.dma_semaphore, #tpu.memory_space<semaphore_mem>>) attributes {dimension_semantics = [#tpu.dimension_semantics<core_parallel>, #tpu.dimension_semantics<subcore_parallel>], iteration_bounds = array<i64: 2, 16>, scalar_prefetch = 0 : i64, scratch_operands = 5 : i64, tpu.core_type = #tpu.core_type<sc_vector_subcore>, window_params = [{transform_indices = #map}, {transform_indices = #map}, {transform_indices = #map1}, {transform_indices = #map}, {transform_indices = #map}]} {
    %mul3A = arith.constant 2 : i32
    %mul3A_0 = arith.muli %arg1, %mul3A : i32
    %add3A = arith.addi %mul3A_0, %arg0 : i32
    %mul3A_1 = arith.constant 64 : i32
    %mul3A_2 = arith.muli %add3A, %mul3A_1 : i32
    "tpu.region"() ({
      %run_scoped3A = tpu.sem_alloc : memref<!tpu.dma_semaphore, #tpu.memory_space<semaphore_mem>>
      %dma_start3A_13 = tpu.memref_slice %arg4[%mul3A_2] : memref<2048xi32, #tpu.memory_space<hbm>> -> memref<64xi32, #tpu.memory_space<hbm>>
      %dma_start3A_14 = tpu.memref_slice %arg4[%mul3A_2] : memref<2048xi32, #tpu.memory_space<hbm>> -> memref<64xi32, #tpu.memory_space<hbm>>
      tpu.enqueue_dma source(%dma_start3A_14 : memref<64xi32, #tpu.memory_space<hbm>>) target(%arg7 : memref<64xi32, #tpu.memory_space<vmem>>) target_semaphore(%run_scoped3A : memref<!tpu.dma_semaphore, #tpu.memory_space<semaphore_mem>>)
      %dma_wait3A_15 = tpu.memref_slice %arg4[%mul3A_2] : memref<2048xi32, #tpu.memory_space<hbm>> -> memref<64xi32, #tpu.memory_space<hbm>>
      %dma_wait3A_16 = tpu.memref_slice %arg4[%mul3A_2] : memref<2048xi32, #tpu.memory_space<hbm>> -> memref<64xi32, #tpu.memory_space<hbm>>
      tpu.wait_dma2 semaphore(%run_scoped3A : memref<!tpu.dma_semaphore, #tpu.memory_space<semaphore_mem>>) src(%dma_wait3A_16 : memref<64xi32, #tpu.memory_space<hbm>>) dst(%arg7 : memref<64xi32, #tpu.memory_space<vmem>>)
      tpu.yield
    }) : () -> ()
    "tpu.region"() ({
      %run_scoped3A = tpu.sem_alloc : memref<!tpu.dma_semaphore, #tpu.memory_space<semaphore_mem>>
      %dma_start3A_13 = arith.constant 0 : i32
      %dma_start3A_14 = tpu.memref_slice %arg2[%mul3A_2, %dma_start3A_13] : memref<2048x768xf32, #tpu.memory_space<hbm>> -> memref<64x768xf32, #tpu.memory_space<hbm>>
      %dma_start3A_15 = arith.constant 0 : i32
      %dma_start3A_16 = tpu.memref_slice %arg2[%mul3A_2, %dma_start3A_15] : memref<2048x768xf32, #tpu.memory_space<hbm>> -> memref<64x768xf32, #tpu.memory_space<hbm>>
      tpu.enqueue_dma source(%dma_start3A_16 : memref<64x768xf32, #tpu.memory_space<hbm>>) target(%arg8 : memref<64x768xf32, #tpu.memory_space<vmem>>) target_semaphore(%run_scoped3A : memref<!tpu.dma_semaphore, #tpu.memory_space<semaphore_mem>>)
      %dma_wait3A_17 = arith.constant 0 : i32
      %dma_wait3A_18 = tpu.memref_slice %arg2[%mul3A_2, %dma_wait3A_17] : memref<2048x768xf32, #tpu.memory_space<hbm>> -> memref<64x768xf32, #tpu.memory_space<hbm>>
      %dma_wait3A_19 = arith.constant 0 : i32
      %dma_wait3A_20 = tpu.memref_slice %arg2[%mul3A_2, %dma_wait3A_19] : memref<2048x768xf32, #tpu.memory_space<hbm>> -> memref<64x768xf32, #tpu.memory_space<hbm>>
      tpu.wait_dma2 semaphore(%run_scoped3A : memref<!tpu.dma_semaphore, #tpu.memory_space<semaphore_mem>>) src(%dma_wait3A_20 : memref<64x768xf32, #tpu.memory_space<hbm>>) dst(%arg8 : memref<64x768xf32, #tpu.memory_space<vmem>>)
      tpu.yield
    }) : () -> ()
    "tpu.region"() ({
      %run_scoped3A = tpu.sem_alloc : memref<!tpu.dma_semaphore, #tpu.memory_space<semaphore_mem>>
      %dma_start3A_13 = arith.constant 0 : i32
      %dma_start3A_14 = tpu.memref_slice %arg3[%mul3A_2, %dma_start3A_13] : memref<2048x128xf32, #tpu.memory_space<hbm>> -> memref<64x128xf32, #tpu.memory_space<hbm>>
      %dma_start3A_15 = arith.constant 0 : i32
      %dma_start3A_16 = tpu.memref_slice %arg3[%mul3A_2, %dma_start3A_15] : memref<2048x128xf32, #tpu.memory_space<hbm>> -> memref<64x128xf32, #tpu.memory_space<hbm>>
      tpu.enqueue_dma source(%dma_start3A_16 : memref<64x128xf32, #tpu.memory_space<hbm>>) target(%arg9 : memref<64x128xf32, #tpu.memory_space<vmem>>) target_semaphore(%run_scoped3A : memref<!tpu.dma_semaphore, #tpu.memory_space<semaphore_mem>>)
      %dma_wait3A_17 = arith.constant 0 : i32
      %dma_wait3A_18 = tpu.memref_slice %arg3[%mul3A_2, %dma_wait3A_17] : memref<2048x128xf32, #tpu.memory_space<hbm>> -> memref<64x128xf32, #tpu.memory_space<hbm>>
      %dma_wait3A_19 = arith.constant 0 : i32
      %dma_wait3A_20 = tpu.memref_slice %arg3[%mul3A_2, %dma_wait3A_19] : memref<2048x128xf32, #tpu.memory_space<hbm>> -> memref<64x128xf32, #tpu.memory_space<hbm>>
      tpu.wait_dma2 semaphore(%run_scoped3A : memref<!tpu.dma_semaphore, #tpu.memory_space<semaphore_mem>>) src(%dma_wait3A_20 : memref<64x128xf32, #tpu.memory_space<hbm>>) dst(%arg9 : memref<64x128xf32, #tpu.memory_space<vmem>>)
      tpu.yield
    }) : () -> ()
    %dma_start3A = arith.constant 0 : i32
    %dma_start3A_3 = arith.constant 0 : i32
    %dma_start3A_4 = tpu.memref_slice %arg5[%dma_start3A, %dma_start3A_3] : memref<3072x768xf32, #tpu.memory_space<hbm>> -> memref<3072x768xf32, #tpu.memory_space<hbm>>
    tpu.enqueue_indirect_dma source(%arg8 : memref<64x768xf32, #tpu.memory_space<vmem>>) target(%dma_start3A_4 : memref<3072x768xf32, #tpu.memory_space<hbm>>) offsets(%arg7 : memref<64xi32, #tpu.memory_space<vmem>>) semaphore(%arg10 : memref<!tpu.dma_semaphore, #tpu.memory_space<semaphore_mem>>)
    %dma_start3A_5 = arith.constant 0 : i32
    %dma_start3A_6 = arith.constant 0 : i32
    %dma_start3A_7 = tpu.memref_slice %arg6[%dma_start3A_5, %dma_start3A_6] : memref<3072x128xf32, #tpu.memory_space<hbm>> -> memref<3072x128xf32, #tpu.memory_space<hbm>>
    tpu.enqueue_indirect_dma source(%arg9 : memref<64x128xf32, #tpu.memory_space<vmem>>) target(%dma_start3A_7 : memref<3072x128xf32, #tpu.memory_space<hbm>>) offsets(%arg7 : memref<64xi32, #tpu.memory_space<vmem>>) semaphore(%arg11 : memref<!tpu.dma_semaphore, #tpu.memory_space<semaphore_mem>>)
    %dma_wait3A = arith.constant 0 : i32
    %dma_wait3A_8 = arith.constant 0 : i32
    %dma_wait3A_9 = tpu.memref_slice %arg5[%dma_wait3A, %dma_wait3A_8] : memref<3072x768xf32, #tpu.memory_space<hbm>> -> memref<3072x768xf32, #tpu.memory_space<hbm>>
    tpu.wait_indirect_dma semaphore(%arg10 : memref<!tpu.dma_semaphore, #tpu.memory_space<semaphore_mem>>) src(%arg8 : memref<64x768xf32, #tpu.memory_space<vmem>>) dst(%dma_wait3A_9 : memref<3072x768xf32, #tpu.memory_space<hbm>>)
    %dma_wait3A_10 = arith.constant 0 : i32
    %dma_wait3A_11 = arith.constant 0 : i32
    %dma_wait3A_12 = tpu.memref_slice %arg6[%dma_wait3A_10, %dma_wait3A_11] : memref<3072x128xf32, #tpu.memory_space<hbm>> -> memref<3072x128xf32, #tpu.memory_space<hbm>>
    tpu.wait_indirect_dma semaphore(%arg11 : memref<!tpu.dma_semaphore, #tpu.memory_space<semaphore_mem>>) src(%arg9 : memref<64x128xf32, #tpu.memory_space<vmem>>) dst(%dma_wait3A_12 : memref<3072x128xf32, #tpu.memory_space<hbm>>)
    return
  }
}

#map = affine_map<(d0, d1) -> (0, 0)>
#map1 = affine_map<(d0, d1) -> (0)>
module attributes {stable_mosaic.version = 14 : i64} {
  func.func @sc_scatter(%arg0: i32, %arg1: i32, %arg2: memref<3072x768xf32, #tpu.memory_space<hbm>>, %arg3: memref<3072xi32, #tpu.memory_space<hbm>>, %arg4: memref<2056x768xf32, #tpu.memory_space<hbm>>, %arg5: memref<96xi32, #tpu.memory_space<vmem>>, %arg6: memref<96x768xf32, #tpu.memory_space<vmem>>, %arg7: memref<!tpu.dma_semaphore, #tpu.memory_space<semaphore_mem>>) attributes {dimension_semantics = [#tpu.dimension_semantics<core_parallel>, #tpu.dimension_semantics<subcore_parallel>], iteration_bounds = array<i64: 2, 16>, scalar_prefetch = 0 : i64, scratch_operands = 3 : i64, tpu.core_type = #tpu.core_type<sc_vector_subcore>, window_params = [{transform_indices = #map}, {transform_indices = #map1}, {transform_indices = #map}]} {
    %mul3A = arith.constant 2 : i32
    %mul3A_0 = arith.muli %arg1, %mul3A : i32
    %add3A = arith.addi %mul3A_0, %arg0 : i32
    %mul3A_1 = arith.constant 96 : i32
    %mul3A_2 = arith.muli %add3A, %mul3A_1 : i32
    "tpu.region"() ({
      %run_scoped3A = tpu.sem_alloc : memref<!tpu.dma_semaphore, #tpu.memory_space<semaphore_mem>>
      %dma_start3A_7 = tpu.memref_slice %arg3[%mul3A_2] : memref<3072xi32, #tpu.memory_space<hbm>> -> memref<96xi32, #tpu.memory_space<hbm>>
      %dma_start3A_8 = tpu.memref_slice %arg3[%mul3A_2] : memref<3072xi32, #tpu.memory_space<hbm>> -> memref<96xi32, #tpu.memory_space<hbm>>
      tpu.enqueue_dma source(%dma_start3A_8 : memref<96xi32, #tpu.memory_space<hbm>>) target(%arg5 : memref<96xi32, #tpu.memory_space<vmem>>) target_semaphore(%run_scoped3A : memref<!tpu.dma_semaphore, #tpu.memory_space<semaphore_mem>>)
      %dma_wait3A_9 = tpu.memref_slice %arg3[%mul3A_2] : memref<3072xi32, #tpu.memory_space<hbm>> -> memref<96xi32, #tpu.memory_space<hbm>>
      %dma_wait3A_10 = tpu.memref_slice %arg3[%mul3A_2] : memref<3072xi32, #tpu.memory_space<hbm>> -> memref<96xi32, #tpu.memory_space<hbm>>
      tpu.wait_dma2 semaphore(%run_scoped3A : memref<!tpu.dma_semaphore, #tpu.memory_space<semaphore_mem>>) src(%dma_wait3A_10 : memref<96xi32, #tpu.memory_space<hbm>>) dst(%arg5 : memref<96xi32, #tpu.memory_space<vmem>>)
      tpu.yield
    }) : () -> ()
    "tpu.region"() ({
      %run_scoped3A = tpu.sem_alloc : memref<!tpu.dma_semaphore, #tpu.memory_space<semaphore_mem>>
      %dma_start3A_7 = arith.constant 0 : i32
      %dma_start3A_8 = tpu.memref_slice %arg2[%mul3A_2, %dma_start3A_7] : memref<3072x768xf32, #tpu.memory_space<hbm>> -> memref<96x768xf32, #tpu.memory_space<hbm>>
      %dma_start3A_9 = arith.constant 0 : i32
      %dma_start3A_10 = tpu.memref_slice %arg2[%mul3A_2, %dma_start3A_9] : memref<3072x768xf32, #tpu.memory_space<hbm>> -> memref<96x768xf32, #tpu.memory_space<hbm>>
      tpu.enqueue_dma source(%dma_start3A_10 : memref<96x768xf32, #tpu.memory_space<hbm>>) target(%arg6 : memref<96x768xf32, #tpu.memory_space<vmem>>) target_semaphore(%run_scoped3A : memref<!tpu.dma_semaphore, #tpu.memory_space<semaphore_mem>>)
      %dma_wait3A_11 = arith.constant 0 : i32
      %dma_wait3A_12 = tpu.memref_slice %arg2[%mul3A_2, %dma_wait3A_11] : memref<3072x768xf32, #tpu.memory_space<hbm>> -> memref<96x768xf32, #tpu.memory_space<hbm>>
      %dma_wait3A_13 = arith.constant 0 : i32
      %dma_wait3A_14 = tpu.memref_slice %arg2[%mul3A_2, %dma_wait3A_13] : memref<3072x768xf32, #tpu.memory_space<hbm>> -> memref<96x768xf32, #tpu.memory_space<hbm>>
      tpu.wait_dma2 semaphore(%run_scoped3A : memref<!tpu.dma_semaphore, #tpu.memory_space<semaphore_mem>>) src(%dma_wait3A_14 : memref<96x768xf32, #tpu.memory_space<hbm>>) dst(%arg6 : memref<96x768xf32, #tpu.memory_space<vmem>>)
      tpu.yield
    }) : () -> ()
    %dma_start3A = arith.constant 0 : i32
    %dma_start3A_3 = arith.constant 0 : i32
    %dma_start3A_4 = tpu.memref_slice %arg4[%dma_start3A, %dma_start3A_3] : memref<2056x768xf32, #tpu.memory_space<hbm>> -> memref<2056x768xf32, #tpu.memory_space<hbm>>
    tpu.enqueue_indirect_dma source(%arg6 : memref<96x768xf32, #tpu.memory_space<vmem>>) target(%dma_start3A_4 : memref<2056x768xf32, #tpu.memory_space<hbm>>) offsets(%arg5 : memref<96xi32, #tpu.memory_space<vmem>>) semaphore(%arg7 : memref<!tpu.dma_semaphore, #tpu.memory_space<semaphore_mem>>)
    %dma_wait3A = arith.constant 0 : i32
    %dma_wait3A_5 = arith.constant 0 : i32
    %dma_wait3A_6 = tpu.memref_slice %arg4[%dma_wait3A, %dma_wait3A_5] : memref<2056x768xf32, #tpu.memory_space<hbm>> -> memref<2056x768xf32, #tpu.memory_space<hbm>>
    tpu.wait_indirect_dma semaphore(%arg7 : memref<!tpu.dma_semaphore, #tpu.memory_space<semaphore_mem>>) src(%arg6 : memref<96x768xf32, #tpu.memory_space<vmem>>) dst(%dma_wait3A_6 : memref<2056x768xf32, #tpu.memory_space<hbm>>)
    return
  }
}

module attributes {stable_mosaic.version = 14 : i64} {
  func.func @_gate_body(%arg0: memref<2048x768xf32, #tpu.memory_space<vmem>>, %arg1: memref<768x16xf32, #tpu.memory_space<vmem>>, %arg2: memref<8x16xf32, #tpu.memory_space<vmem>>, %arg3: memref<2048x128xf32, #tpu.memory_space<vmem>>, %arg4: memref<2048x1xi32, #tpu.memory_space<vmem>>, %arg5: memref<24x1xi32, #tpu.memory_space<vmem>>) attributes {dimension_semantics = [], scalar_prefetch = 0 : i64, scratch_operands = 0 : i64, tpu.core_type = #tpu.core_type<tc>} {
    %get3A = arith.constant 0 : index
    %get3A_0 = arith.constant 0 : index
    %get3A_1 = vector.load %arg0[%get3A, %get3A_0] : memref<2048x768xf32, #tpu.memory_space<vmem>>, vector<2048x768xf32>
    %get3A_2 = arith.constant 0 : index
    %get3A_3 = arith.constant 0 : index
    %get3A_4 = vector.load %arg1[%get3A_2, %get3A_3] : memref<768x16xf32, #tpu.memory_space<vmem>>, vector<768x16xf32>
    %dot_general3A = arith.constant dense<0.000000e+00> : vector<2048x16xf32>
    %dot_general3A_5 = tpu.matmul %get3A_1, %get3A_4, %dot_general3A {dimension_numbers = #tpu.dot_dimension_numbers<[1], [0], [0], [1], [0, 0, 1, 1], [], []>, transpose_lhs_hint = false} : vector<2048x768xf32>, vector<768x16xf32>, vector<2048x16xf32> -> vector<2048x16xf32>
    %get3A_6 = arith.constant 0 : index
    %get3A_7 = arith.constant 0 : index
    %get3A_8 = vector.load %arg2[%get3A_6, %get3A_7] : memref<8x16xf32, #tpu.memory_space<vmem>>, vector<8x16xf32>
    %mul3A = arith.mulf %get3A_8, %get3A_8 : vector<8x16xf32>
    %reduce_sum3A = arith.constant dense<0.000000e+00> : vector<8xf32>
    %reduce_sum3A_9 = vector.multi_reduction <add>, %mul3A, %reduce_sum3A [1] : vector<8x16xf32> to vector<8xf32>
    %broadcast_in_dim3A = vector.shape_cast %reduce_sum3A_9 : vector<8xf32> to vector<8x1xf32>
    %sqrt3A = math.sqrt %broadcast_in_dim3A : vector<8x1xf32>
    %max3A = arith.constant 9.99999996E-13 : f32
    %max3A_10 = vector.broadcast %max3A : f32 to vector<8x1xf32>
    %max3A_11 = arith.maximumf %sqrt3A, %max3A_10 : vector<8x1xf32>
    %div3A = arith.constant 1.500000e+00 : f32
    %div3A_12 = vector.broadcast %div3A : f32 to vector<8x1xf32>
    %div3A_13 = arith.divf %div3A_12, %max3A_11 : vector<8x1xf32>
    %mul3A_14 = vector.broadcast %div3A_13 : vector<8x1xf32> to vector<8x16xf32>
    %mul3A_15 = arith.mulf %mul3A_14, %get3A_8 : vector<8x16xf32>
    %mul3A_16 = arith.mulf %mul3A_15, %mul3A_15 : vector<8x16xf32>
    %reduce_sum3A_17 = arith.constant dense<0.000000e+00> : vector<8xf32>
    %reduce_sum3A_18 = vector.multi_reduction <add>, %mul3A_16, %reduce_sum3A_17 [1] : vector<8x16xf32> to vector<8xf32>
    %broadcast_in_dim3A_19 = vector.shape_cast %reduce_sum3A_18 : vector<8xf32> to vector<8x1xf32>
    %sqrt3A_20 = math.sqrt %broadcast_in_dim3A_19 : vector<8x1xf32>
    %max3A_21 = arith.constant 9.99999974E-5 : f32
    %max3A_22 = vector.broadcast %max3A_21 : f32 to vector<8x1xf32>
    %max3A_23 = arith.maximumf %sqrt3A_20, %max3A_22 : vector<8x1xf32>
    %div3A_24 = vector.broadcast %max3A_23 : vector<8x1xf32> to vector<8x16xf32>
    %div3A_25 = arith.divf %mul3A_15, %div3A_24 : vector<8x16xf32>
    %dot_general3A_26 = arith.constant dense<0.000000e+00> : vector<2048x8xf32>
    %dot_general3A_27 = tpu.matmul %dot_general3A_5, %div3A_25, %dot_general3A_26 {dimension_numbers = #tpu.dot_dimension_numbers<[1], [1], [0], [0], [0, 0, 1, 0], [], []>, transpose_lhs_hint = false} : vector<2048x16xf32>, vector<8x16xf32>, vector<2048x8xf32> -> vector<2048x8xf32>
    %reduce_max3A = arith.constant dense<0xFF800000> : vector<2048xf32>
    %reduce_max3A_28 = vector.multi_reduction <maximumf>, %dot_general3A_27, %reduce_max3A [1] : vector<2048x8xf32> to vector<2048xf32>
    %broadcast_in_dim3A_29 = vector.shape_cast %reduce_max3A_28 : vector<2048xf32> to vector<2048x1xf32>
    %sub3A = vector.broadcast %broadcast_in_dim3A_29 : vector<2048x1xf32> to vector<2048x8xf32>
    %sub3A_30 = arith.subf %dot_general3A_27, %sub3A : vector<2048x8xf32>
    %exp3A = math.exp %sub3A_30 : vector<2048x8xf32>
    %reduce_sum3A_31 = arith.constant dense<0.000000e+00> : vector<2048xf32>
    %reduce_sum3A_32 = vector.multi_reduction <add>, %exp3A, %reduce_sum3A_31 [1] : vector<2048x8xf32> to vector<2048xf32>
    %broadcast_in_dim3A_33 = vector.shape_cast %reduce_sum3A_32 : vector<2048xf32> to vector<2048x1xf32>
    %div3A_34 = vector.broadcast %broadcast_in_dim3A_33 : vector<2048x1xf32> to vector<2048x8xf32>
    %div3A_35 = arith.divf %exp3A, %div3A_34 : vector<2048x8xf32>
    %reduce_max3A_36 = arith.constant dense<0xFF800000> : vector<2048xf32>
    %reduce_max3A_37 = vector.multi_reduction <maximumf>, %div3A_35, %reduce_max3A_36 [1] : vector<2048x8xf32> to vector<2048xf32>
    %broadcast_in_dim3A_38 = vector.shape_cast %reduce_max3A_37 : vector<2048xf32> to vector<2048x1xf32>
    %iota3A = tpu.iota {dimensions = array<i32: 1>} : vector<2048x8xi32>
    %ge3A = vector.broadcast %broadcast_in_dim3A_38 : vector<2048x1xf32> to vector<2048x8xf32>
    %ge3A_39 = arith.cmpf oge, %div3A_35, %ge3A : vector<2048x8xf32>
    %jit3A = arith.constant 8 : i32
    %broadcast_in_dim3A_40 = vector.broadcast %jit3A : i32 to vector<2048x8xi32>
    %select_n3A = arith.select %ge3A_39, %iota3A, %broadcast_in_dim3A_40 : vector<2048x8xi1>, vector<2048x8xi32>
    %reduce_min3A = arith.constant dense<2147483647> : vector<2048xi32>
    %reduce_min3A_41 = vector.multi_reduction <minsi>, %select_n3A, %reduce_min3A [1] : vector<2048x8xi32> to vector<2048xi32>
    %broadcast_in_dim3A_42 = vector.shape_cast %reduce_min3A_41 : vector<2048xi32> to vector<2048x1xi32>
    %broadcast_in_dim3A_43 = vector.shape_cast %broadcast_in_dim3A_38 : vector<2048x1xf32> to vector<2048x1xf32>
    %broadcast_in_dim3A_44 = vector.broadcast %broadcast_in_dim3A_43 : vector<2048x1xf32> to vector<2048x128xf32>
    %swap3A = arith.constant 0 : index
    %swap3A_45 = arith.constant 0 : index
    %swap3A_46 = vector.load %arg3[%swap3A, %swap3A_45] : memref<2048x128xf32, #tpu.memory_space<vmem>>, vector<2048x128xf32>
    tpu.vector_store %arg3[%swap3A, %swap3A_45], %broadcast_in_dim3A_44 {strides = array<i32>} : memref<2048x128xf32, #tpu.memory_space<vmem>>, vector<2048x128xf32>,
    %eq3A = vector.broadcast %broadcast_in_dim3A_42 : vector<2048x1xi32> to vector<2048x8xi32>
    %eq3A_47 = arith.cmpi eq, %eq3A, %iota3A : vector<2048x8xi32>
    %convert_element_type3A = arith.extui %eq3A_47 : vector<2048x8xi1> to vector<2048x8xi32>
    %convert_element_type3A_48 = arith.sitofp %convert_element_type3A : vector<2048x8xi32> to vector<2048x8xf32>
    %iota3A_49 = tpu.iota {dimensions = array<i32: 0>} : vector<128x128xi32>
    %iota3A_50 = tpu.iota {dimensions = array<i32: 1>} : vector<128x128xi32>
    %ge3A_51 = arith.cmpi sge, %iota3A_49, %iota3A_50 : vector<128x128xi32>
    %convert_element_type3A_52 = arith.extui %ge3A_51 : vector<128x128xi1> to vector<128x128xi32>
    %convert_element_type3A_53 = arith.sitofp %convert_element_type3A_52 : vector<128x128xi32> to vector<128x128xf32>
    %broadcast_in_dim3A_54 = arith.constant 0.000000e+00 : f32
    %broadcast_in_dim3A_55 = vector.broadcast %broadcast_in_dim3A_54 : f32 to vector<1x8xf32>
    %slice3A = vector.extract_strided_slice %convert_element_type3A_48 {offsets = [0, 0], sizes = [128, 8], strides = [1, 1]} : vector<2048x8xf32> to vector<128x8xf32>
    %dot_general3A_56 = arith.constant dense<0.000000e+00> : vector<128x8xf32>
    %dot_general3A_57 = tpu.matmul %convert_element_type3A_53, %slice3A, %dot_general3A_56 {dimension_numbers = #tpu.dot_dimension_numbers<[1], [0], [0], [1], [0, 0, 1, 1], [], []>, transpose_lhs_hint = false} : vector<128x128xf32>, vector<128x8xf32>, vector<128x8xf32> -> vector<128x8xf32>
    %add3A = vector.broadcast %broadcast_in_dim3A_55 : vector<1x8xf32> to vector<128x8xf32>
    %add3A_58 = arith.addf %dot_general3A_57, %add3A : vector<128x8xf32>
    %slice3A_59 = vector.extract_strided_slice %add3A_58 {offsets = [127, 0], sizes = [1, 8], strides = [1, 1]} : vector<128x8xf32> to vector<1x8xf32>
    %mul3A_60 = arith.mulf %slice3A, %add3A_58 : vector<128x8xf32>
    %reduce_sum3A_61 = arith.constant dense<0.000000e+00> : vector<128xf32>
    %reduce_sum3A_62 = vector.multi_reduction <add>, %mul3A_60, %reduce_sum3A_61 [1] : vector<128x8xf32> to vector<128xf32>
    %broadcast_in_dim3A_63 = vector.shape_cast %reduce_sum3A_62 : vector<128xf32> to vector<128x1xf32>
    %convert_element_type3A_64 = arith.fptosi %broadcast_in_dim3A_63 : vector<128x1xf32> to vector<128x1xi32>
    %swap3A_65 = arith.constant 0 : index
    %swap3A_66 = arith.constant 0 : index
    %swap3A_67 = vector.load %arg4[%swap3A_65, %swap3A_66] : memref<2048x1xi32, #tpu.memory_space<vmem>>, vector<128x1xi32>
    tpu.vector_store %arg4[%swap3A_65, %swap3A_66], %convert_element_type3A_64 {strides = array<i32>} : memref<2048x1xi32, #tpu.memory_space<vmem>>, vector<128x1xi32>,
    %slice3A_68 = vector.extract_strided_slice %convert_element_type3A_48 {offsets = [128, 0], sizes = [128, 8], strides = [1, 1]} : vector<2048x8xf32> to vector<128x8xf32>
    %dot_general3A_69 = arith.constant dense<0.000000e+00> : vector<128x8xf32>
    %dot_general3A_70 = tpu.matmul %convert_element_type3A_53, %slice3A_68, %dot_general3A_69 {dimension_numbers = #tpu.dot_dimension_numbers<[1], [0], [0], [1], [0, 0, 1, 1], [], []>, transpose_lhs_hint = false} : vector<128x128xf32>, vector<128x8xf32>, vector<128x8xf32> -> vector<128x8xf32>
    %add3A_71 = vector.broadcast %slice3A_59 : vector<1x8xf32> to vector<128x8xf32>
    %add3A_72 = arith.addf %dot_general3A_70, %add3A_71 : vector<128x8xf32>
    %slice3A_73 = vector.extract_strided_slice %add3A_72 {offsets = [127, 0], sizes = [1, 8], strides = [1, 1]} : vector<128x8xf32> to vector<1x8xf32>
    %mul3A_74 = arith.mulf %slice3A_68, %add3A_72 : vector<128x8xf32>
    %reduce_sum3A_75 = arith.constant dense<0.000000e+00> : vector<128xf32>
    %reduce_sum3A_76 = vector.multi_reduction <add>, %mul3A_74, %reduce_sum3A_75 [1] : vector<128x8xf32> to vector<128xf32>
    %broadcast_in_dim3A_77 = vector.shape_cast %reduce_sum3A_76 : vector<128xf32> to vector<128x1xf32>
    %convert_element_type3A_78 = arith.fptosi %broadcast_in_dim3A_77 : vector<128x1xf32> to vector<128x1xi32>
    %swap3A_79 = arith.constant 128 : index
    %swap3A_80 = arith.constant 0 : index
    %swap3A_81 = vector.load %arg4[%swap3A_79, %swap3A_80] : memref<2048x1xi32, #tpu.memory_space<vmem>>, vector<128x1xi32>
    tpu.vector_store %arg4[%swap3A_79, %swap3A_80], %convert_element_type3A_78 {strides = array<i32>} : memref<2048x1xi32, #tpu.memory_space<vmem>>, vector<128x1xi32>,
    %slice3A_82 = vector.extract_strided_slice %convert_element_type3A_48 {offsets = [256, 0], sizes = [128, 8], strides = [1, 1]} : vector<2048x8xf32> to vector<128x8xf32>
    %dot_general3A_83 = arith.constant dense<0.000000e+00> : vector<128x8xf32>
    %dot_general3A_84 = tpu.matmul %convert_element_type3A_53, %slice3A_82, %dot_general3A_83 {dimension_numbers = #tpu.dot_dimension_numbers<[1], [0], [0], [1], [0, 0, 1, 1], [], []>, transpose_lhs_hint = false} : vector<128x128xf32>, vector<128x8xf32>, vector<128x8xf32> -> vector<128x8xf32>
    %add3A_85 = vector.broadcast %slice3A_73 : vector<1x8xf32> to vector<128x8xf32>
    %add3A_86 = arith.addf %dot_general3A_84, %add3A_85 : vector<128x8xf32>
    %slice3A_87 = vector.extract_strided_slice %add3A_86 {offsets = [127, 0], sizes = [1, 8], strides = [1, 1]} : vector<128x8xf32> to vector<1x8xf32>
    %mul3A_88 = arith.mulf %slice3A_82, %add3A_86 : vector<128x8xf32>
    %reduce_sum3A_89 = arith.constant dense<0.000000e+00> : vector<128xf32>
    %reduce_sum3A_90 = vector.multi_reduction <add>, %mul3A_88, %reduce_sum3A_89 [1] : vector<128x8xf32> to vector<128xf32>
    %broadcast_in_dim3A_91 = vector.shape_cast %reduce_sum3A_90 : vector<128xf32> to vector<128x1xf32>
    %convert_element_type3A_92 = arith.fptosi %broadcast_in_dim3A_91 : vector<128x1xf32> to vector<128x1xi32>
    %swap3A_93 = arith.constant 256 : index
    %swap3A_94 = arith.constant 0 : index
    %swap3A_95 = vector.load %arg4[%swap3A_93, %swap3A_94] : memref<2048x1xi32, #tpu.memory_space<vmem>>, vector<128x1xi32>
    tpu.vector_store %arg4[%swap3A_93, %swap3A_94], %convert_element_type3A_92 {strides = array<i32>} : memref<2048x1xi32, #tpu.memory_space<vmem>>, vector<128x1xi32>,
    %slice3A_96 = vector.extract_strided_slice %convert_element_type3A_48 {offsets = [384, 0], sizes = [128, 8], strides = [1, 1]} : vector<2048x8xf32> to vector<128x8xf32>
    %dot_general3A_97 = arith.constant dense<0.000000e+00> : vector<128x8xf32>
    %dot_general3A_98 = tpu.matmul %convert_element_type3A_53, %slice3A_96, %dot_general3A_97 {dimension_numbers = #tpu.dot_dimension_numbers<[1], [0], [0], [1], [0, 0, 1, 1], [], []>, transpose_lhs_hint = false} : vector<128x128xf32>, vector<128x8xf32>, vector<128x8xf32> -> vector<128x8xf32>
    %add3A_99 = vector.broadcast %slice3A_87 : vector<1x8xf32> to vector<128x8xf32>
    %add3A_100 = arith.addf %dot_general3A_98, %add3A_99 : vector<128x8xf32>
    %slice3A_101 = vector.extract_strided_slice %add3A_100 {offsets = [127, 0], sizes = [1, 8], strides = [1, 1]} : vector<128x8xf32> to vector<1x8xf32>
    %mul3A_102 = arith.mulf %slice3A_96, %add3A_100 : vector<128x8xf32>
    %reduce_sum3A_103 = arith.constant dense<0.000000e+00> : vector<128xf32>
    %reduce_sum3A_104 = vector.multi_reduction <add>, %mul3A_102, %reduce_sum3A_103 [1] : vector<128x8xf32> to vector<128xf32>
    %broadcast_in_dim3A_105 = vector.shape_cast %reduce_sum3A_104 : vector<128xf32> to vector<128x1xf32>
    %convert_element_type3A_106 = arith.fptosi %broadcast_in_dim3A_105 : vector<128x1xf32> to vector<128x1xi32>
    %swap3A_107 = arith.constant 384 : index
    %swap3A_108 = arith.constant 0 : index
    %swap3A_109 = vector.load %arg4[%swap3A_107, %swap3A_108] : memref<2048x1xi32, #tpu.memory_space<vmem>>, vector<128x1xi32>
    tpu.vector_store %arg4[%swap3A_107, %swap3A_108], %convert_element_type3A_106 {strides = array<i32>} : memref<2048x1xi32, #tpu.memory_space<vmem>>, vector<128x1xi32>,
    %slice3A_110 = vector.extract_strided_slice %convert_element_type3A_48 {offsets = [512, 0], sizes = [128, 8], strides = [1, 1]} : vector<2048x8xf32> to vector<128x8xf32>
    %dot_general3A_111 = arith.constant dense<0.000000e+00> : vector<128x8xf32>
    %dot_general3A_112 = tpu.matmul %convert_element_type3A_53, %slice3A_110, %dot_general3A_111 {dimension_numbers = #tpu.dot_dimension_numbers<[1], [0], [0], [1], [0, 0, 1, 1], [], []>, transpose_lhs_hint = false} : vector<128x128xf32>, vector<128x8xf32>, vector<128x8xf32> -> vector<128x8xf32>
    %add3A_113 = vector.broadcast %slice3A_101 : vector<1x8xf32> to vector<128x8xf32>
    %add3A_114 = arith.addf %dot_general3A_112, %add3A_113 : vector<128x8xf32>
    %slice3A_115 = vector.extract_strided_slice %add3A_114 {offsets = [127, 0], sizes = [1, 8], strides = [1, 1]} : vector<128x8xf32> to vector<1x8xf32>
    %mul3A_116 = arith.mulf %slice3A_110, %add3A_114 : vector<128x8xf32>
    %reduce_sum3A_117 = arith.constant dense<0.000000e+00> : vector<128xf32>
    %reduce_sum3A_118 = vector.multi_reduction <add>, %mul3A_116, %reduce_sum3A_117 [1] : vector<128x8xf32> to vector<128xf32>
    %broadcast_in_dim3A_119 = vector.shape_cast %reduce_sum3A_118 : vector<128xf32> to vector<128x1xf32>
    %convert_element_type3A_120 = arith.fptosi %broadcast_in_dim3A_119 : vector<128x1xf32> to vector<128x1xi32>
    %swap3A_121 = arith.constant 512 : index
    %swap3A_122 = arith.constant 0 : index
    %swap3A_123 = vector.load %arg4[%swap3A_121, %swap3A_122] : memref<2048x1xi32, #tpu.memory_space<vmem>>, vector<128x1xi32>
    tpu.vector_store %arg4[%swap3A_121, %swap3A_122], %convert_element_type3A_120 {strides = array<i32>} : memref<2048x1xi32, #tpu.memory_space<vmem>>, vector<128x1xi32>,
    %slice3A_124 = vector.extract_strided_slice %convert_element_type3A_48 {offsets = [640, 0], sizes = [128, 8], strides = [1, 1]} : vector<2048x8xf32> to vector<128x8xf32>
    %dot_general3A_125 = arith.constant dense<0.000000e+00> : vector<128x8xf32>
    %dot_general3A_126 = tpu.matmul %convert_element_type3A_53, %slice3A_124, %dot_general3A_125 {dimension_numbers = #tpu.dot_dimension_numbers<[1], [0], [0], [1], [0, 0, 1, 1], [], []>, transpose_lhs_hint = false} : vector<128x128xf32>, vector<128x8xf32>, vector<128x8xf32> -> vector<128x8xf32>
    %add3A_127 = vector.broadcast %slice3A_115 : vector<1x8xf32> to vector<128x8xf32>
    %add3A_128 = arith.addf %dot_general3A_126, %add3A_127 : vector<128x8xf32>
    %slice3A_129 = vector.extract_strided_slice %add3A_128 {offsets = [127, 0], sizes = [1, 8], strides = [1, 1]} : vector<128x8xf32> to vector<1x8xf32>
    %mul3A_130 = arith.mulf %slice3A_124, %add3A_128 : vector<128x8xf32>
    %reduce_sum3A_131 = arith.constant dense<0.000000e+00> : vector<128xf32>
    %reduce_sum3A_132 = vector.multi_reduction <add>, %mul3A_130, %reduce_sum3A_131 [1] : vector<128x8xf32> to vector<128xf32>
    %broadcast_in_dim3A_133 = vector.shape_cast %reduce_sum3A_132 : vector<128xf32> to vector<128x1xf32>
    %convert_element_type3A_134 = arith.fptosi %broadcast_in_dim3A_133 : vector<128x1xf32> to vector<128x1xi32>
    %swap3A_135 = arith.constant 640 : index
    %swap3A_136 = arith.constant 0 : index
    %swap3A_137 = vector.load %arg4[%swap3A_135, %swap3A_136] : memref<2048x1xi32, #tpu.memory_space<vmem>>, vector<128x1xi32>
    tpu.vector_store %arg4[%swap3A_135, %swap3A_136], %convert_element_type3A_134 {strides = array<i32>} : memref<2048x1xi32, #tpu.memory_space<vmem>>, vector<128x1xi32>,
    %slice3A_138 = vector.extract_strided_slice %convert_element_type3A_48 {offsets = [768, 0], sizes = [128, 8], strides = [1, 1]} : vector<2048x8xf32> to vector<128x8xf32>
    %dot_general3A_139 = arith.constant dense<0.000000e+00> : vector<128x8xf32>
    %dot_general3A_140 = tpu.matmul %convert_element_type3A_53, %slice3A_138, %dot_general3A_139 {dimension_numbers = #tpu.dot_dimension_numbers<[1], [0], [0], [1], [0, 0, 1, 1], [], []>, transpose_lhs_hint = false} : vector<128x128xf32>, vector<128x8xf32>, vector<128x8xf32> -> vector<128x8xf32>
    %add3A_141 = vector.broadcast %slice3A_129 : vector<1x8xf32> to vector<128x8xf32>
    %add3A_142 = arith.addf %dot_general3A_140, %add3A_141 : vector<128x8xf32>
    %slice3A_143 = vector.extract_strided_slice %add3A_142 {offsets = [127, 0], sizes = [1, 8], strides = [1, 1]} : vector<128x8xf32> to vector<1x8xf32>
    %mul3A_144 = arith.mulf %slice3A_138, %add3A_142 : vector<128x8xf32>
    %reduce_sum3A_145 = arith.constant dense<0.000000e+00> : vector<128xf32>
    %reduce_sum3A_146 = vector.multi_reduction <add>, %mul3A_144, %reduce_sum3A_145 [1] : vector<128x8xf32> to vector<128xf32>
    %broadcast_in_dim3A_147 = vector.shape_cast %reduce_sum3A_146 : vector<128xf32> to vector<128x1xf32>
    %convert_element_type3A_148 = arith.fptosi %broadcast_in_dim3A_147 : vector<128x1xf32> to vector<128x1xi32>
    %swap3A_149 = arith.constant 768 : index
    %swap3A_150 = arith.constant 0 : index
    %swap3A_151 = vector.load %arg4[%swap3A_149, %swap3A_150] : memref<2048x1xi32, #tpu.memory_space<vmem>>, vector<128x1xi32>
    tpu.vector_store %arg4[%swap3A_149, %swap3A_150], %convert_element_type3A_148 {strides = array<i32>} : memref<2048x1xi32, #tpu.memory_space<vmem>>, vector<128x1xi32>,
    %slice3A_152 = vector.extract_strided_slice %convert_element_type3A_48 {offsets = [896, 0], sizes = [128, 8], strides = [1, 1]} : vector<2048x8xf32> to vector<128x8xf32>
    %dot_general3A_153 = arith.constant dense<0.000000e+00> : vector<128x8xf32>
    %dot_general3A_154 = tpu.matmul %convert_element_type3A_53, %slice3A_152, %dot_general3A_153 {dimension_numbers = #tpu.dot_dimension_numbers<[1], [0], [0], [1], [0, 0, 1, 1], [], []>, transpose_lhs_hint = false} : vector<128x128xf32>, vector<128x8xf32>, vector<128x8xf32> -> vector<128x8xf32>
    %add3A_155 = vector.broadcast %slice3A_143 : vector<1x8xf32> to vector<128x8xf32>
    %add3A_156 = arith.addf %dot_general3A_154, %add3A_155 : vector<128x8xf32>
    %slice3A_157 = vector.extract_strided_slice %add3A_156 {offsets = [127, 0], sizes = [1, 8], strides = [1, 1]} : vector<128x8xf32> to vector<1x8xf32>
    %mul3A_158 = arith.mulf %slice3A_152, %add3A_156 : vector<128x8xf32>
    %reduce_sum3A_159 = arith.constant dense<0.000000e+00> : vector<128xf32>
    %reduce_sum3A_160 = vector.multi_reduction <add>, %mul3A_158, %reduce_sum3A_159 [1] : vector<128x8xf32> to vector<128xf32>
    %broadcast_in_dim3A_161 = vector.shape_cast %reduce_sum3A_160 : vector<128xf32> to vector<128x1xf32>
    %convert_element_type3A_162 = arith.fptosi %broadcast_in_dim3A_161 : vector<128x1xf32> to vector<128x1xi32>
    %swap3A_163 = arith.constant 896 : index
    %swap3A_164 = arith.constant 0 : index
    %swap3A_165 = vector.load %arg4[%swap3A_163, %swap3A_164] : memref<2048x1xi32, #tpu.memory_space<vmem>>, vector<128x1xi32>
    tpu.vector_store %arg4[%swap3A_163, %swap3A_164], %convert_element_type3A_162 {strides = array<i32>} : memref<2048x1xi32, #tpu.memory_space<vmem>>, vector<128x1xi32>,
    %slice3A_166 = vector.extract_strided_slice %convert_element_type3A_48 {offsets = [1024, 0], sizes = [128, 8], strides = [1, 1]} : vector<2048x8xf32> to vector<128x8xf32>
    %dot_general3A_167 = arith.constant dense<0.000000e+00> : vector<128x8xf32>
    %dot_general3A_168 = tpu.matmul %convert_element_type3A_53, %slice3A_166, %dot_general3A_167 {dimension_numbers = #tpu.dot_dimension_numbers<[1], [0], [0], [1], [0, 0, 1, 1], [], []>, transpose_lhs_hint = false} : vector<128x128xf32>, vector<128x8xf32>, vector<128x8xf32> -> vector<128x8xf32>
    %add3A_169 = vector.broadcast %slice3A_157 : vector<1x8xf32> to vector<128x8xf32>
    %add3A_170 = arith.addf %dot_general3A_168, %add3A_169 : vector<128x8xf32>
    %slice3A_171 = vector.extract_strided_slice %add3A_170 {offsets = [127, 0], sizes = [1, 8], strides = [1, 1]} : vector<128x8xf32> to vector<1x8xf32>
    %mul3A_172 = arith.mulf %slice3A_166, %add3A_170 : vector<128x8xf32>
    %reduce_sum3A_173 = arith.constant dense<0.000000e+00> : vector<128xf32>
    %reduce_sum3A_174 = vector.multi_reduction <add>, %mul3A_172, %reduce_sum3A_173 [1] : vector<128x8xf32> to vector<128xf32>
    %broadcast_in_dim3A_175 = vector.shape_cast %reduce_sum3A_174 : vector<128xf32> to vector<128x1xf32>
    %convert_element_type3A_176 = arith.fptosi %broadcast_in_dim3A_175 : vector<128x1xf32> to vector<128x1xi32>
    %swap3A_177 = arith.constant 1024 : index
    %swap3A_178 = arith.constant 0 : index
    %swap3A_179 = vector.load %arg4[%swap3A_177, %swap3A_178] : memref<2048x1xi32, #tpu.memory_space<vmem>>, vector<128x1xi32>
    tpu.vector_store %arg4[%swap3A_177, %swap3A_178], %convert_element_type3A_176 {strides = array<i32>} : memref<2048x1xi32, #tpu.memory_space<vmem>>, vector<128x1xi32>,
    %slice3A_180 = vector.extract_strided_slice %convert_element_type3A_48 {offsets = [1152, 0], sizes = [128, 8], strides = [1, 1]} : vector<2048x8xf32> to vector<128x8xf32>
    %dot_general3A_181 = arith.constant dense<0.000000e+00> : vector<128x8xf32>
    %dot_general3A_182 = tpu.matmul %convert_element_type3A_53, %slice3A_180, %dot_general3A_181 {dimension_numbers = #tpu.dot_dimension_numbers<[1], [0], [0], [1], [0, 0, 1, 1], [], []>, transpose_lhs_hint = false} : vector<128x128xf32>, vector<128x8xf32>, vector<128x8xf32> -> vector<128x8xf32>
    %add3A_183 = vector.broadcast %slice3A_171 : vector<1x8xf32> to vector<128x8xf32>
    %add3A_184 = arith.addf %dot_general3A_182, %add3A_183 : vector<128x8xf32>
    %slice3A_185 = vector.extract_strided_slice %add3A_184 {offsets = [127, 0], sizes = [1, 8], strides = [1, 1]} : vector<128x8xf32> to vector<1x8xf32>
    %mul3A_186 = arith.mulf %slice3A_180, %add3A_184 : vector<128x8xf32>
    %reduce_sum3A_187 = arith.constant dense<0.000000e+00> : vector<128xf32>
    %reduce_sum3A_188 = vector.multi_reduction <add>, %mul3A_186, %reduce_sum3A_187 [1] : vector<128x8xf32> to vector<128xf32>
    %broadcast_in_dim3A_189 = vector.shape_cast %reduce_sum3A_188 : vector<128xf32> to vector<128x1xf32>
    %convert_element_type3A_190 = arith.fptosi %broadcast_in_dim3A_189 : vector<128x1xf32> to vector<128x1xi32>
    %swap3A_191 = arith.constant 1152 : index
    %swap3A_192 = arith.constant 0 : index
    %swap3A_193 = vector.load %arg4[%swap3A_191, %swap3A_192] : memref<2048x1xi32, #tpu.memory_space<vmem>>, vector<128x1xi32>
    tpu.vector_store %arg4[%swap3A_191, %swap3A_192], %convert_element_type3A_190 {strides = array<i32>} : memref<2048x1xi32, #tpu.memory_space<vmem>>, vector<128x1xi32>,
    %slice3A_194 = vector.extract_strided_slice %convert_element_type3A_48 {offsets = [1280, 0], sizes = [128, 8], strides = [1, 1]} : vector<2048x8xf32> to vector<128x8xf32>
    %dot_general3A_195 = arith.constant dense<0.000000e+00> : vector<128x8xf32>
    %dot_general3A_196 = tpu.matmul %convert_element_type3A_53, %slice3A_194, %dot_general3A_195 {dimension_numbers = #tpu.dot_dimension_numbers<[1], [0], [0], [1], [0, 0, 1, 1], [], []>, transpose_lhs_hint = false} : vector<128x128xf32>, vector<128x8xf32>, vector<128x8xf32> -> vector<128x8xf32>
    %add3A_197 = vector.broadcast %slice3A_185 : vector<1x8xf32> to vector<128x8xf32>
    %add3A_198 = arith.addf %dot_general3A_196, %add3A_197 : vector<128x8xf32>
    %slice3A_199 = vector.extract_strided_slice %add3A_198 {offsets = [127, 0], sizes = [1, 8], strides = [1, 1]} : vector<128x8xf32> to vector<1x8xf32>
    %mul3A_200 = arith.mulf %slice3A_194, %add3A_198 : vector<128x8xf32>
    %reduce_sum3A_201 = arith.constant dense<0.000000e+00> : vector<128xf32>
    %reduce_sum3A_202 = vector.multi_reduction <add>, %mul3A_200, %reduce_sum3A_201 [1] : vector<128x8xf32> to vector<128xf32>
    %broadcast_in_dim3A_203 = vector.shape_cast %reduce_sum3A_202 : vector<128xf32> to vector<128x1xf32>
    %convert_element_type3A_204 = arith.fptosi %broadcast_in_dim3A_203 : vector<128x1xf32> to vector<128x1xi32>
    %swap3A_205 = arith.constant 1280 : index
    %swap3A_206 = arith.constant 0 : index
    %swap3A_207 = vector.load %arg4[%swap3A_205, %swap3A_206] : memref<2048x1xi32, #tpu.memory_space<vmem>>, vector<128x1xi32>
    tpu.vector_store %arg4[%swap3A_205, %swap3A_206], %convert_element_type3A_204 {strides = array<i32>} : memref<2048x1xi32, #tpu.memory_space<vmem>>, vector<128x1xi32>,
    %slice3A_208 = vector.extract_strided_slice %convert_element_type3A_48 {offsets = [1408, 0], sizes = [128, 8], strides = [1, 1]} : vector<2048x8xf32> to vector<128x8xf32>
    %dot_general3A_209 = arith.constant dense<0.000000e+00> : vector<128x8xf32>
    %dot_general3A_210 = tpu.matmul %convert_element_type3A_53, %slice3A_208, %dot_general3A_209 {dimension_numbers = #tpu.dot_dimension_numbers<[1], [0], [0], [1], [0, 0, 1, 1], [], []>, transpose_lhs_hint = false} : vector<128x128xf32>, vector<128x8xf32>, vector<128x8xf32> -> vector<128x8xf32>
    %add3A_211 = vector.broadcast %slice3A_199 : vector<1x8xf32> to vector<128x8xf32>
    %add3A_212 = arith.addf %dot_general3A_210, %add3A_211 : vector<128x8xf32>
    %slice3A_213 = vector.extract_strided_slice %add3A_212 {offsets = [127, 0], sizes = [1, 8], strides = [1, 1]} : vector<128x8xf32> to vector<1x8xf32>
    %mul3A_214 = arith.mulf %slice3A_208, %add3A_212 : vector<128x8xf32>
    %reduce_sum3A_215 = arith.constant dense<0.000000e+00> : vector<128xf32>
    %reduce_sum3A_216 = vector.multi_reduction <add>, %mul3A_214, %reduce_sum3A_215 [1] : vector<128x8xf32> to vector<128xf32>
    %broadcast_in_dim3A_217 = vector.shape_cast %reduce_sum3A_216 : vector<128xf32> to vector<128x1xf32>
    %convert_element_type3A_218 = arith.fptosi %broadcast_in_dim3A_217 : vector<128x1xf32> to vector<128x1xi32>
    %swap3A_219 = arith.constant 1408 : index
    %swap3A_220 = arith.constant 0 : index
    %swap3A_221 = vector.load %arg4[%swap3A_219, %swap3A_220] : memref<2048x1xi32, #tpu.memory_space<vmem>>, vector<128x1xi32>
    tpu.vector_store %arg4[%swap3A_219, %swap3A_220], %convert_element_type3A_218 {strides = array<i32>} : memref<2048x1xi32, #tpu.memory_space<vmem>>, vector<128x1xi32>,
    %slice3A_222 = vector.extract_strided_slice %convert_element_type3A_48 {offsets = [1536, 0], sizes = [128, 8], strides = [1, 1]} : vector<2048x8xf32> to vector<128x8xf32>
    %dot_general3A_223 = arith.constant dense<0.000000e+00> : vector<128x8xf32>
    %dot_general3A_224 = tpu.matmul %convert_element_type3A_53, %slice3A_222, %dot_general3A_223 {dimension_numbers = #tpu.dot_dimension_numbers<[1], [0], [0], [1], [0, 0, 1, 1], [], []>, transpose_lhs_hint = false} : vector<128x128xf32>, vector<128x8xf32>, vector<128x8xf32> -> vector<128x8xf32>
    %add3A_225 = vector.broadcast %slice3A_213 : vector<1x8xf32> to vector<128x8xf32>
    %add3A_226 = arith.addf %dot_general3A_224, %add3A_225 : vector<128x8xf32>
    %slice3A_227 = vector.extract_strided_slice %add3A_226 {offsets = [127, 0], sizes = [1, 8], strides = [1, 1]} : vector<128x8xf32> to vector<1x8xf32>
    %mul3A_228 = arith.mulf %slice3A_222, %add3A_226 : vector<128x8xf32>
    %reduce_sum3A_229 = arith.constant dense<0.000000e+00> : vector<128xf32>
    %reduce_sum3A_230 = vector.multi_reduction <add>, %mul3A_228, %reduce_sum3A_229 [1] : vector<128x8xf32> to vector<128xf32>
    %broadcast_in_dim3A_231 = vector.shape_cast %reduce_sum3A_230 : vector<128xf32> to vector<128x1xf32>
    %convert_element_type3A_232 = arith.fptosi %broadcast_in_dim3A_231 : vector<128x1xf32> to vector<128x1xi32>
    %swap3A_233 = arith.constant 1536 : index
    %swap3A_234 = arith.constant 0 : index
    %swap3A_235 = vector.load %arg4[%swap3A_233, %swap3A_234] : memref<2048x1xi32, #tpu.memory_space<vmem>>, vector<128x1xi32>
    tpu.vector_store %arg4[%swap3A_233, %swap3A_234], %convert_element_type3A_232 {strides = array<i32>} : memref<2048x1xi32, #tpu.memory_space<vmem>>, vector<128x1xi32>,
    %slice3A_236 = vector.extract_strided_slice %convert_element_type3A_48 {offsets = [1664, 0], sizes = [128, 8], strides = [1, 1]} : vector<2048x8xf32> to vector<128x8xf32>
    %dot_general3A_237 = arith.constant dense<0.000000e+00> : vector<128x8xf32>
    %dot_general3A_238 = tpu.matmul %convert_element_type3A_53, %slice3A_236, %dot_general3A_237 {dimension_numbers = #tpu.dot_dimension_numbers<[1], [0], [0], [1], [0, 0, 1, 1], [], []>, transpose_lhs_hint = false} : vector<128x128xf32>, vector<128x8xf32>, vector<128x8xf32> -> vector<128x8xf32>
    %add3A_239 = vector.broadcast %slice3A_227 : vector<1x8xf32> to vector<128x8xf32>
    %add3A_240 = arith.addf %dot_general3A_238, %add3A_239 : vector<128x8xf32>
    %slice3A_241 = vector.extract_strided_slice %add3A_240 {offsets = [127, 0], sizes = [1, 8], strides = [1, 1]} : vector<128x8xf32> to vector<1x8xf32>
    %mul3A_242 = arith.mulf %slice3A_236, %add3A_240 : vector<128x8xf32>
    %reduce_sum3A_243 = arith.constant dense<0.000000e+00> : vector<128xf32>
    %reduce_sum3A_244 = vector.multi_reduction <add>, %mul3A_242, %reduce_sum3A_243 [1] : vector<128x8xf32> to vector<128xf32>
    %broadcast_in_dim3A_245 = vector.shape_cast %reduce_sum3A_244 : vector<128xf32> to vector<128x1xf32>
    %convert_element_type3A_246 = arith.fptosi %broadcast_in_dim3A_245 : vector<128x1xf32> to vector<128x1xi32>
    %swap3A_247 = arith.constant 1664 : index
    %swap3A_248 = arith.constant 0 : index
    %swap3A_249 = vector.load %arg4[%swap3A_247, %swap3A_248] : memref<2048x1xi32, #tpu.memory_space<vmem>>, vector<128x1xi32>
    tpu.vector_store %arg4[%swap3A_247, %swap3A_248], %convert_element_type3A_246 {strides = array<i32>} : memref<2048x1xi32, #tpu.memory_space<vmem>>, vector<128x1xi32>,
    %slice3A_250 = vector.extract_strided_slice %convert_element_type3A_48 {offsets = [1792, 0], sizes = [128, 8], strides = [1, 1]} : vector<2048x8xf32> to vector<128x8xf32>
    %dot_general3A_251 = arith.constant dense<0.000000e+00> : vector<128x8xf32>
    %dot_general3A_252 = tpu.matmul %convert_element_type3A_53, %slice3A_250, %dot_general3A_251 {dimension_numbers = #tpu.dot_dimension_numbers<[1], [0], [0], [1], [0, 0, 1, 1], [], []>, transpose_lhs_hint = false} : vector<128x128xf32>, vector<128x8xf32>, vector<128x8xf32> -> vector<128x8xf32>
    %add3A_253 = vector.broadcast %slice3A_241 : vector<1x8xf32> to vector<128x8xf32>
    %add3A_254 = arith.addf %dot_general3A_252, %add3A_253 : vector<128x8xf32>
    %slice3A_255 = vector.extract_strided_slice %add3A_254 {offsets = [127, 0], sizes = [1, 8], strides = [1, 1]} : vector<128x8xf32> to vector<1x8xf32>
    %mul3A_256 = arith.mulf %slice3A_250, %add3A_254 : vector<128x8xf32>
    %reduce_sum3A_257 = arith.constant dense<0.000000e+00> : vector<128xf32>
    %reduce_sum3A_258 = vector.multi_reduction <add>, %mul3A_256, %reduce_sum3A_257 [1] : vector<128x8xf32> to vector<128xf32>
    %broadcast_in_dim3A_259 = vector.shape_cast %reduce_sum3A_258 : vector<128xf32> to vector<128x1xf32>
    %convert_element_type3A_260 = arith.fptosi %broadcast_in_dim3A_259 : vector<128x1xf32> to vector<128x1xi32>
    %swap3A_261 = arith.constant 1792 : index
    %swap3A_262 = arith.constant 0 : index
    %swap3A_263 = vector.load %arg4[%swap3A_261, %swap3A_262] : memref<2048x1xi32, #tpu.memory_space<vmem>>, vector<128x1xi32>
    tpu.vector_store %arg4[%swap3A_261, %swap3A_262], %convert_element_type3A_260 {strides = array<i32>} : memref<2048x1xi32, #tpu.memory_space<vmem>>, vector<128x1xi32>,
    %slice3A_264 = vector.extract_strided_slice %convert_element_type3A_48 {offsets = [1920, 0], sizes = [128, 8], strides = [1, 1]} : vector<2048x8xf32> to vector<128x8xf32>
    %dot_general3A_265 = arith.constant dense<0.000000e+00> : vector<128x8xf32>
    %dot_general3A_266 = tpu.matmul %convert_element_type3A_53, %slice3A_264, %dot_general3A_265 {dimension_numbers = #tpu.dot_dimension_numbers<[1], [0], [0], [1], [0, 0, 1, 1], [], []>, transpose_lhs_hint = false} : vector<128x128xf32>, vector<128x8xf32>, vector<128x8xf32> -> vector<128x8xf32>
    %add3A_267 = vector.broadcast %slice3A_255 : vector<1x8xf32> to vector<128x8xf32>
    %add3A_268 = arith.addf %dot_general3A_266, %add3A_267 : vector<128x8xf32>
    %slice3A_269 = vector.extract_strided_slice %add3A_268 {offsets = [127, 0], sizes = [1, 8], strides = [1, 1]} : vector<128x8xf32> to vector<1x8xf32>
    %mul3A_270 = arith.mulf %slice3A_264, %add3A_268 : vector<128x8xf32>
    %reduce_sum3A_271 = arith.constant dense<0.000000e+00> : vector<128xf32>
    %reduce_sum3A_272 = vector.multi_reduction <add>, %mul3A_270, %reduce_sum3A_271 [1] : vector<128x8xf32> to vector<128xf32>
    %broadcast_in_dim3A_273 = vector.shape_cast %reduce_sum3A_272 : vector<128xf32> to vector<128x1xf32>
    %convert_element_type3A_274 = arith.fptosi %broadcast_in_dim3A_273 : vector<128x1xf32> to vector<128x1xi32>
    %swap3A_275 = arith.constant 1920 : index
    %swap3A_276 = arith.constant 0 : index
    %swap3A_277 = vector.load %arg4[%swap3A_275, %swap3A_276] : memref<2048x1xi32, #tpu.memory_space<vmem>>, vector<128x1xi32>
    tpu.vector_store %arg4[%swap3A_275, %swap3A_276], %convert_element_type3A_274 {strides = array<i32>} : memref<2048x1xi32, #tpu.memory_space<vmem>>, vector<128x1xi32>,
    %add3A_278 = arith.constant 1.270000e+02 : f32
    %add3A_279 = vector.broadcast %add3A_278 : f32 to vector<1x8xf32>
    %add3A_280 = arith.addf %slice3A_269, %add3A_279 : vector<1x8xf32>
    %mul3A_281 = arith.constant 7.812500e-03 : f32
    %mul3A_282 = vector.broadcast %mul3A_281 : f32 to vector<1x8xf32>
    %mul3A_283 = arith.mulf %add3A_280, %mul3A_282 : vector<1x8xf32>
    %floor3A = math.floor %mul3A_283 : vector<1x8xf32>
    %iota3A_284 = tpu.iota {dimensions = array<i32: 0>} : vector<8x8xi32>
    %iota3A_285 = tpu.iota {dimensions = array<i32: 1>} : vector<8x8xi32>
    %le3A = arith.cmpi sle, %iota3A_284, %iota3A_285 : vector<8x8xi32>
    %convert_element_type3A_286 = arith.extui %le3A : vector<8x8xi1> to vector<8x8xi32>
    %convert_element_type3A_287 = arith.sitofp %convert_element_type3A_286 : vector<8x8xi32> to vector<8x8xf32>
    %dot_general3A_288 = arith.constant dense<0.000000e+00> : vector<1x8xf32>
    %dot_general3A_289 = tpu.matmul %floor3A, %convert_element_type3A_287, %dot_general3A_288 {dimension_numbers = #tpu.dot_dimension_numbers<[1], [0], [0], [1], [0, 0, 1, 1], [], []>, transpose_lhs_hint = false} : vector<1x8xf32>, vector<8x8xf32>, vector<1x8xf32> -> vector<1x8xf32>
    %sub3A_290 = arith.subf %dot_general3A_289, %floor3A : vector<1x8xf32>
    %mul3A_291 = arith.constant 1.280000e+02 : f32
    %mul3A_292 = vector.broadcast %mul3A_291 : f32 to vector<1x8xf32>
    %mul3A_293 = arith.mulf %sub3A_290, %mul3A_292 : vector<1x8xf32>
    %mul3A_294 = vector.broadcast %mul3A_293 : vector<1x8xf32> to vector<2048x8xf32>
    %mul3A_295 = arith.mulf %convert_element_type3A_48, %mul3A_294 : vector<2048x8xf32>
    %reduce_sum3A_296 = arith.constant dense<0.000000e+00> : vector<2048xf32>
    %reduce_sum3A_297 = vector.multi_reduction <add>, %mul3A_295, %reduce_sum3A_296 [1] : vector<2048x8xf32> to vector<2048xf32>
    %broadcast_in_dim3A_298 = vector.shape_cast %reduce_sum3A_297 : vector<2048xf32> to vector<2048x1xf32>
    %get3A_299 = arith.constant 0 : index
    %get3A_300 = arith.constant 0 : index
    %get3A_301 = vector.load %arg4[%get3A_299, %get3A_300] : memref<2048x1xi32, #tpu.memory_space<vmem>>, vector<2048x1xi32>
    %convert_element_type3A_302 = arith.fptosi %broadcast_in_dim3A_298 : vector<2048x1xf32> to vector<2048x1xi32>
    %add3A_303 = arith.addi %get3A_301, %convert_element_type3A_302 : vector<2048x1xi32>
    %sub3A_304 = arith.constant 1 : i32
    %sub3A_305 = vector.broadcast %sub3A_304 : i32 to vector<2048x1xi32>
    %sub3A_306 = arith.subi %add3A_303, %sub3A_305 : vector<2048x1xi32>
    %swap3A_307 = arith.constant 0 : index
    %swap3A_308 = arith.constant 0 : index
    %swap3A_309 = vector.load %arg4[%swap3A_307, %swap3A_308] : memref<2048x1xi32, #tpu.memory_space<vmem>>, vector<2048x1xi32>
    tpu.vector_store %arg4[%swap3A_307, %swap3A_308], %sub3A_306 {strides = array<i32>} : memref<2048x1xi32, #tpu.memory_space<vmem>>, vector<2048x1xi32>,
    %iota3A_310 = tpu.iota {dimensions = array<i32: 0>} : vector<24x8xi32>
    %convert_element_type3A_311 = arith.sitofp %iota3A_310 : vector<24x8xi32> to vector<24x8xf32>
    %broadcast_in_dim3A_312 = vector.shape_cast %dot_general3A_289 : vector<1x8xf32> to vector<1x8xf32>
    %broadcast_in_dim3A_313 = vector.broadcast %broadcast_in_dim3A_312 : vector<1x8xf32> to vector<24x8xf32>
    %ge3A_314 = arith.cmpf oge, %convert_element_type3A_311, %broadcast_in_dim3A_313 : vector<24x8xf32>
    %convert_element_type3A_315 = arith.extui %ge3A_314 : vector<24x8xi1> to vector<24x8xi32>
    %reduce_sum3A_316 = arith.constant dense<0> : vector<24xi32>
    %reduce_sum3A_317 = vector.multi_reduction <add>, %convert_element_type3A_315, %reduce_sum3A_316 [1] : vector<24x8xi32> to vector<24xi32>
    %broadcast_in_dim3A_318 = vector.shape_cast %reduce_sum3A_317 : vector<24xi32> to vector<24x1xi32>
    %min3A = arith.constant 7 : i32
    %min3A_319 = vector.broadcast %min3A : i32 to vector<24x1xi32>
    %min3A_320 = arith.minsi %broadcast_in_dim3A_318, %min3A_319 : vector<24x1xi32>
    %swap3A_321 = arith.constant 0 : index
    %swap3A_322 = arith.constant 0 : index
    %swap3A_323 = vector.load %arg5[%swap3A_321, %swap3A_322] : memref<24x1xi32, #tpu.memory_space<vmem>>, vector<24x1xi32>
    tpu.vector_store %arg5[%swap3A_321, %swap3A_322], %min3A_320 {strides = array<i32>} : memref<24x1xi32, #tpu.memory_space<vmem>>, vector<24x1xi32>,
    return
  }
}

module attributes {stable_mosaic.version = 14 : i64} {
  func.func @_ffn_body(%arg0: i32, %arg1: memref<24xi32, #tpu.memory_space<smem>>, %arg2: memref<128x768xf32, #tpu.memory_space<vmem>>, %arg3: memref<1x768x768xf32, #tpu.memory_space<vmem>>, %arg4: memref<1x1x768xf32, #tpu.memory_space<vmem>>, %arg5: memref<1x768x768xf32, #tpu.memory_space<vmem>>, %arg6: memref<1x1x768xf32, #tpu.memory_space<vmem>>, %arg7: memref<128x1xf32, #tpu.memory_space<vmem>>, %arg8: memref<128x768xf32, #tpu.memory_space<vmem>>) attributes {dimension_semantics = [#tpu.dimension_semantics<arbitrary>], iteration_bounds = array<i64: 24>, scalar_prefetch = 1 : i64, scratch_operands = 0 : i64, tpu.core_type = #tpu.core_type<tc>, window_params = [{transform_indices = @transform_0, window_bounds = array<i64: 128, 768>}, {transform_indices = @transform_1, window_bounds = array<i64: 1, 768, 768>}, {transform_indices = @transform_2, window_bounds = array<i64: 1, 1, 768>}, {transform_indices = @transform_3, window_bounds = array<i64: 1, 768, 768>}, {transform_indices = @transform_4, window_bounds = array<i64: 1, 1, 768>}, {transform_indices = @transform_5, window_bounds = array<i64: 128, 1>}, {transform_indices = @transform_6, window_bounds = array<i64: 128, 768>}]} {
    %get3A = arith.constant 0 : index
    %get3A_0 = arith.constant 0 : index
    %get3A_1 = vector.load %arg2[%get3A, %get3A_0] : memref<128x768xf32, #tpu.memory_space<vmem>>, vector<128x768xf32>
    %convert_element_type3A = arith.truncf %get3A_1 : vector<128x768xf32> to vector<128x768xbf16>
    %get3A_2 = arith.constant 0 : index
    %get3A_3 = arith.constant 0 : index
    %get3A_4 = arith.constant 0 : index
    %get3A_5 = vector.load %arg3[%get3A_2, %get3A_3, %get3A_4] : memref<1x768x768xf32, #tpu.memory_space<vmem>>, vector<1x768x768xf32>
    %get3A_6 = vector.shape_cast %get3A_5 : vector<1x768x768xf32> to vector<768x768xf32>
    %convert_element_type3A_7 = arith.truncf %get3A_6 : vector<768x768xf32> to vector<768x768xbf16>
    %dot_general3A = arith.constant dense<0.000000e+00> : vector<128x768xf32>
    %dot_general3A_8 = tpu.matmul %convert_element_type3A, %convert_element_type3A_7, %dot_general3A {dimension_numbers = #tpu.dot_dimension_numbers<[1], [0], [0], [1], [0, 0, 1, 1], [], []>, transpose_lhs_hint = false} : vector<128x768xbf16>, vector<768x768xbf16>, vector<128x768xf32> -> vector<128x768xf32>
    %get3A_9 = arith.constant 0 : index
    %get3A_10 = arith.constant 0 : index
    %get3A_11 = arith.constant 0 : index
    %get3A_12 = vector.load %arg4[%get3A_9, %get3A_10, %get3A_11] : memref<1x1x768xf32, #tpu.memory_space<vmem>>, vector<1x1x768xf32>
    %get3A_13 = vector.shape_cast %get3A_12 : vector<1x1x768xf32> to vector<1x768xf32>
    %add3A = vector.broadcast %get3A_13 : vector<1x768xf32> to vector<128x768xf32>
    %add3A_14 = arith.addf %dot_general3A_8, %add3A : vector<128x768xf32>
    %mul3A = arith.constant 0.707106769 : f32
    %mul3A_15 = vector.broadcast %mul3A : f32 to vector<128x768xf32>
    %mul3A_16 = arith.mulf %add3A_14, %mul3A_15 : vector<128x768xf32>
    %abs3A = math.absf %mul3A_16 : vector<128x768xf32>
    %mul3A_17 = arith.constant 0.327591091 : f32
    %mul3A_18 = vector.broadcast %mul3A_17 : f32 to vector<128x768xf32>
    %mul3A_19 = arith.mulf %mul3A_18, %abs3A : vector<128x768xf32>
    %add3A_20 = arith.constant 1.000000e+00 : f32
    %add3A_21 = vector.broadcast %add3A_20 : f32 to vector<128x768xf32>
    %add3A_22 = arith.addf %add3A_21, %mul3A_19 : vector<128x768xf32>
    %div3A = arith.constant 1.000000e+00 : f32
    %div3A_23 = vector.broadcast %div3A : f32 to vector<128x768xf32>
    %div3A_24 = arith.divf %div3A_23, %add3A_22 : vector<128x768xf32>
    %mul3A_25 = arith.constant 1.06140542 : f32
    %mul3A_26 = vector.broadcast %mul3A_25 : f32 to vector<128x768xf32>
    %mul3A_27 = arith.mulf %div3A_24, %mul3A_26 : vector<128x768xf32>
    %add3A_28 = arith.constant -1.45315206 : f32
    %add3A_29 = vector.broadcast %add3A_28 : f32 to vector<128x768xf32>
    %add3A_30 = arith.addf %add3A_29, %mul3A_27 : vector<128x768xf32>
    %mul3A_31 = arith.mulf %div3A_24, %add3A_30 : vector<128x768xf32>
    %add3A_32 = arith.constant 1.42141378 : f32
    %add3A_33 = vector.broadcast %add3A_32 : f32 to vector<128x768xf32>
    %add3A_34 = arith.addf %add3A_33, %mul3A_31 : vector<128x768xf32>
    %mul3A_35 = arith.mulf %div3A_24, %add3A_34 : vector<128x768xf32>
    %add3A_36 = arith.constant -0.284496725 : f32
    %add3A_37 = vector.broadcast %add3A_36 : f32 to vector<128x768xf32>
    %add3A_38 = arith.addf %add3A_37, %mul3A_35 : vector<128x768xf32>
    %mul3A_39 = arith.mulf %div3A_24, %add3A_38 : vector<128x768xf32>
    %add3A_40 = arith.constant 0.254829586 : f32
    %add3A_41 = vector.broadcast %add3A_40 : f32 to vector<128x768xf32>
    %add3A_42 = arith.addf %add3A_41, %mul3A_39 : vector<128x768xf32>
    %mul3A_43 = arith.mulf %div3A_24, %add3A_42 : vector<128x768xf32>
    %neg3A = arith.constant 0.000000e+00 : f32
    %neg3A_44 = vector.broadcast %neg3A : f32 to vector<128x768xf32>
    %neg3A_45 = arith.subf %neg3A_44, %abs3A : vector<128x768xf32>
    %mul3A_46 = arith.mulf %neg3A_45, %abs3A : vector<128x768xf32>
    %exp3A = math.exp %mul3A_46 : vector<128x768xf32>
    %mul3A_47 = arith.mulf %mul3A_43, %exp3A : vector<128x768xf32>
    %sub3A = arith.constant 1.000000e+00 : f32
    %sub3A_48 = vector.broadcast %sub3A : f32 to vector<128x768xf32>
    %sub3A_49 = arith.subf %sub3A_48, %mul3A_47 : vector<128x768xf32>
    %lt3A = arith.constant 0.000000e+00 : f32
    %lt3A_50 = vector.broadcast %lt3A : f32 to vector<128x768xf32>
    %lt3A_51 = arith.cmpf olt, %mul3A_16, %lt3A_50 : vector<128x768xf32>
    %neg3A_52 = arith.constant 0.000000e+00 : f32
    %neg3A_53 = vector.broadcast %neg3A_52 : f32 to vector<128x768xf32>
    %neg3A_54 = arith.subf %neg3A_53, %sub3A_49 : vector<128x768xf32>
    %select_n3A = arith.select %lt3A_51, %neg3A_54, %sub3A_49 : vector<128x768xi1>, vector<128x768xf32>
    %mul3A_55 = arith.constant 5.000000e-01 : f32
    %mul3A_56 = vector.broadcast %mul3A_55 : f32 to vector<128x768xf32>
    %mul3A_57 = arith.mulf %mul3A_56, %add3A_14 : vector<128x768xf32>
    %add3A_58 = arith.constant 1.000000e+00 : f32
    %add3A_59 = vector.broadcast %add3A_58 : f32 to vector<128x768xf32>
    %add3A_60 = arith.addf %add3A_59, %select_n3A : vector<128x768xf32>
    %mul3A_61 = arith.mulf %mul3A_57, %add3A_60 : vector<128x768xf32>
    %convert_element_type3A_62 = arith.truncf %mul3A_61 : vector<128x768xf32> to vector<128x768xbf16>
    %get3A_63 = arith.constant 0 : index
    %get3A_64 = arith.constant 0 : index
    %get3A_65 = arith.constant 0 : index
    %get3A_66 = vector.load %arg5[%get3A_63, %get3A_64, %get3A_65] : memref<1x768x768xf32, #tpu.memory_space<vmem>>, vector<1x768x768xf32>
    %get3A_67 = vector.shape_cast %get3A_66 : vector<1x768x768xf32> to vector<768x768xf32>
    %convert_element_type3A_68 = arith.truncf %get3A_67 : vector<768x768xf32> to vector<768x768xbf16>
    %dot_general3A_69 = arith.constant dense<0.000000e+00> : vector<128x768xf32>
    %dot_general3A_70 = tpu.matmul %convert_element_type3A_62, %convert_element_type3A_68, %dot_general3A_69 {dimension_numbers = #tpu.dot_dimension_numbers<[1], [0], [0], [1], [0, 0, 1, 1], [], []>, transpose_lhs_hint = false} : vector<128x768xbf16>, vector<768x768xbf16>, vector<128x768xf32> -> vector<128x768xf32>
    %get3A_71 = arith.constant 0 : index
    %get3A_72 = arith.constant 0 : index
    %get3A_73 = arith.constant 0 : index
    %get3A_74 = vector.load %arg6[%get3A_71, %get3A_72, %get3A_73] : memref<1x1x768xf32, #tpu.memory_space<vmem>>, vector<1x1x768xf32>
    %get3A_75 = vector.shape_cast %get3A_74 : vector<1x1x768xf32> to vector<1x768xf32>
    %add3A_76 = vector.broadcast %get3A_75 : vector<1x768xf32> to vector<128x768xf32>
    %add3A_77 = arith.addf %dot_general3A_70, %add3A_76 : vector<128x768xf32>
    %get3A_78 = arith.constant 0 : index
    %get3A_79 = arith.constant 0 : index
    %get3A_80 = vector.load %arg7[%get3A_78, %get3A_79] : memref<128x1xf32, #tpu.memory_space<vmem>>, vector<128x1xf32>
    %mul3A_81 = vector.broadcast %get3A_80 : vector<128x1xf32> to vector<128x768xf32>
    %mul3A_82 = arith.mulf %add3A_77, %mul3A_81 : vector<128x768xf32>
    %swap3A = arith.constant 0 : index
    %swap3A_83 = arith.constant 0 : index
    %swap3A_84 = vector.load %arg8[%swap3A, %swap3A_83] : memref<128x768xf32, #tpu.memory_space<vmem>>, vector<128x768xf32>
    tpu.vector_store %arg8[%swap3A, %swap3A_83], %mul3A_82 {strides = array<i32>} : memref<128x768xf32, #tpu.memory_space<vmem>>, vector<128x768xf32>,
    return
  }
  func.func @transform_0(%arg0: i32, %arg1: memref<24xi32, #tpu.memory_space<smem>>) -> (i32, i32) {
    %c0_i32 = arith.constant 0 : i32
    %c0_i32_0 = arith.constant 0 : i32
    return %arg0, %c0_i32 : i32, i32
  }
  func.func @transform_1(%arg0: i32, %arg1: memref<24xi32, #tpu.memory_space<smem>>) -> (i32, i32, i32) {
    %get3A = arith.index_cast %arg0 : i32 to index
    %get3A_0 = memref.load %arg1[%get3A] : memref<24xi32, #tpu.memory_space<smem>>
    %c0_i32 = arith.constant 0 : i32
    %c0_i32_1 = arith.constant 0 : i32
    %c0_i32_2 = arith.constant 0 : i32
    return %get3A_0, %c0_i32, %c0_i32_1 : i32, i32, i32
  }
  func.func @transform_2(%arg0: i32, %arg1: memref<24xi32, #tpu.memory_space<smem>>) -> (i32, i32, i32) {
    %get3A = arith.index_cast %arg0 : i32 to index
    %get3A_0 = memref.load %arg1[%get3A] : memref<24xi32, #tpu.memory_space<smem>>
    %c0_i32 = arith.constant 0 : i32
    %c0_i32_1 = arith.constant 0 : i32
    %c0_i32_2 = arith.constant 0 : i32
    return %get3A_0, %c0_i32, %c0_i32_1 : i32, i32, i32
  }
  func.func @transform_3(%arg0: i32, %arg1: memref<24xi32, #tpu.memory_space<smem>>) -> (i32, i32, i32) {
    %get3A = arith.index_cast %arg0 : i32 to index
    %get3A_0 = memref.load %arg1[%get3A] : memref<24xi32, #tpu.memory_space<smem>>
    %c0_i32 = arith.constant 0 : i32
    %c0_i32_1 = arith.constant 0 : i32
    %c0_i32_2 = arith.constant 0 : i32
    return %get3A_0, %c0_i32, %c0_i32_1 : i32, i32, i32
  }
  func.func @transform_4(%arg0: i32, %arg1: memref<24xi32, #tpu.memory_space<smem>>) -> (i32, i32, i32) {
    %get3A = arith.index_cast %arg0 : i32 to index
    %get3A_0 = memref.load %arg1[%get3A] : memref<24xi32, #tpu.memory_space<smem>>
    %c0_i32 = arith.constant 0 : i32
    %c0_i32_1 = arith.constant 0 : i32
    %c0_i32_2 = arith.constant 0 : i32
    return %get3A_0, %c0_i32, %c0_i32_1 : i32, i32, i32
  }
  func.func @transform_5(%arg0: i32, %arg1: memref<24xi32, #tpu.memory_space<smem>>) -> (i32, i32) {
    %c0_i32 = arith.constant 0 : i32
    %c0_i32_0 = arith.constant 0 : i32
    return %arg0, %c0_i32 : i32, i32
  }
  func.func @transform_6(%arg0: i32, %arg1: memref<24xi32, #tpu.memory_space<smem>>) -> (i32, i32) {
    %c0_i32 = arith.constant 0 : i32
    %c0_i32_0 = arith.constant 0 : i32
    return %arg0, %c0_i32 : i32, i32
  }
}

</mosaic_0001>

<sc_bundles>
// kernel: kernel.6.cloned.1.call-start
scs
__scs_entry_jumppad:
0x0: {  	(pc) =	sbr.rel $0x88, $3  }
0x1: {  	(tag) =	ssettag $0x0;
	lr =	simm.s32 $0x1  }
0x2: {  	[smem:$0x3F9A] =	sst lr;
	_ =	strace $0xD0000000  }
0x3: {  	_ = 	snop  }
0x4: {  	_ = 	snop  }
0x5: {  	_ = 	snop  }
0x6: {  	_ = 	snop  }
0x7: {  	_ = 	snop  }
__scs_overlays_trampoline_lowered:
0x8: {  	[smem:$0x3FA9] =	sst s0  }
0x9: {  	[smem:$0x3FAA] =	sst s1  }
0xa: {  	[smem:$0x3FAB] =	sst s2  }
0xb: {  	[smem:$0x3FAC] =	sst s3  }
0xc: {  	[smem:$0x3FAD] =	sst s4  }
0xd: {  	[smem:$0x3FAE] =	sst s5  }
0xe: {  	[smem:$0x3FAF] =	sst s6  }
0xf: {  	[smem:$0x3FB0] =	sst s7  }
0x10: {  	[smem:$0x3FB1] =	sst s8  }
0x11: {  	[smem:$0x3FB2] =	sst s9;
	s0 =	simm.s32 @!p0 $0x0  }
0x12: {  	s1 =	sld [smem:$0x3F98];
	s0 =	simm.s32 @p0 $0x1  }
0x13: {  	[smem:$0x3FB3] =	sst s0;
	s0 =	simm.s32 @!p1 $0x0  }
0x14: {  	s2 =	sld [smem:$0x3F97];
	s0 =	simm.s32 @p1 $0x1  }
0x15: {  	[smem:$0x3FB4] =	sst s0;
	s0 =	simm.s32 @!p2 $0x0  }
0x16: {  	s3 =	sld [smem:$0x3FDB];
	s0 =	simm.s32 @p2 $0x1  }
0x17: {  	s4 =	simm.s32 $0x1BF5;
	[smem:$0x3FB6] =	sst s0  }
0x18: {  	s0 =	sld [smem:$0x3F99];
	_ =	swait.ge [sflag:s4], $0x0  }
0x19: {  	s7 =	sld [smem:$0x3F9A]  }
0x1a: {  	s8 =	sadd.s32 $0xFFFFE003, lr  }
0x1b: {  	s9 =	sadd.s32 $0xFFFFFEF7, lr;
	s5 =	simm.s32 $0xFFFFFFFF;
	p2 =	slt.u32 s8, $0xFFFFF086  }
0x1c: {  	p1 =	slt.u32 s9, $0xF7A;
	s5 =	simm.s32 @!p2 $0x0  }
0x1d: {  	s5 =	simm.s32 @p1 $0x1;
	p0 =	seq.s32 s7, s2  }
0x1e: {  	s7 =	smul.u32 @!p0 $0xF7A, s2;
	p2 =	seq.s32 @!p0 s5, $0x0  }
0x1f: {  	s9 =	smul.u32 $0xF7A, s1;
	s8 =	simm.s32 @!p0 $0x1BF5;
	p2 =	por !p2, p0  }
0x20: {  	[sflag:s8] =	ssyncset.s32 @!p0 $0xFFFFF086;
	s6 =	sadd.s32 @!p0 s3, s7;
	s7 =	simm.s32 @!p0 $0x108  }
0x21: {  	s3 =	sadd.s32 s3, s9;
	s6 =	sadd.s32 @!p0 $0x88, s6;
	s7 =	simm.s32 @p2 $0x1082  }
0x22: {  	[simem:s7], [sflag:s8] =	dma.local @!p0 [hbm:s6], $0xF7A  }
0x23: {  	s9 =	sor.u32 $0xD0000000, s2;
	s6 =	simm.s32 $0x108;
	_ =	swait.ge @!p0 [sflag:s8], $0x0  }
0x24: {  	s3 =	sadd.s32 $0x88, s3;
	s6 =	simm.s32 @!p1 $0x1082;
	[sflag:s4] =	ssyncset.s32 $0xFFFFF086  }
0x25: {  	[simem:s6], [sflag:s4] =	dma.local [hbm:s3], $0xF7A  }
0x26: {  	[smem:$0x3F9A] =	sst s1;
	(tag) =	ssettag s2;
	_ =	strace s9  }
0x27: {  	s1 =	sld [smem:$0x3FAA]  }
0x28: {  	s2 =	sld [smem:$0x3FAB]  }
0x29: {  	s4 =	sld [smem:$0x3FAD]  }
0x2a: {  	p0 =	seq.s32 s5, $0x0;
	s5 =	sld [smem:$0x3FAE]  }
0x2b: {  	s6 =	sld [smem:$0x3FAF]  }
0x2c: {  	s7 =	sld [smem:$0x3FB0]  }
0x2d: {  	s3 =	simm.s32 $0x108;
	s8 =	sld [smem:$0x3FB1]  }
0x2e: {  	s3 =	simm.s32 @!p0 $0x1082;
	s9 =	sld [smem:$0x3FB2]  }
0x2f: {  	lr =	sadd.s32 s0, s3;
	s0 =	sld [smem:$0x3FA9]  }
0x30: {  	s3 =	sld [smem:$0x3FAC]  }
0x31: {  	[smem:$0x3FB5] =	sst s10  }
0x32: {  	s10 =	sld [smem:$0x3FB3];
	_ =	sdelay $0x3  }
0x33: {  	p0 =	seq.s32 s10, $0x1;
	s10 =	sld [smem:$0x3FB5];
	_ =	sdelay $0x3  }
0x34: {  	[smem:$0x3FB5] =	sst s10  }
0x35: {  	s10 =	sld [smem:$0x3FB4];
	_ =	sdelay $0x3  }
0x36: {  	p1 =	seq.s32 s10, $0x1;
	s10 =	sld [smem:$0x3FB5];
	_ =	sdelay $0x3  }
0x37: {  	[smem:$0x3FB5] =	sst s10  }
0x38: {  	s10 =	sld [smem:$0x3FB6]  }
0x39: {  	_ = 	snop;
	(pc) =	sbr.ind lr, $3  }
0x3a: {  	_ = 	snop  }
0x3b: {  	_ = 	snop  }
0x3c: {  	p2 =	seq.s32 s10, $0x1;
	s10 =	sld [smem:$0x3FB5]  }
0x3d: {  	_ =	shalt  }
0x3e: {  	_ =	shalt  }
0x3f: {  	_ =	shalt  }
0x40: {  	_ =	shalt  }
0x41: {  	_ =	shalt  }
0x42: {  	_ =	shalt  }
0x43: {  	_ =	shalt  }
0x44: {  	_ =	shalt  }
0x45: {  	_ =	shalt  }
0x46: {  	_ =	shalt  }
0x47: {  	_ =	shalt  }
0x48: {  	_ =	shalt  }
0x49: {  	_ =	shalt  }
0x4a: {  	_ =	shalt  }
0x4b: {  	_ =	shalt  }
0x4c: {  	_ =	shalt  }
0x4d: {  	_ =	shalt  }
0x4e: {  	_ =	shalt  }
0x4f: {  	_ =	shalt  }
0x50: {  	_ =	shalt  }
0x51: {  	_ =	shalt  }
0x52: {  	_ =	shalt  }
0x53: {  	_ =	shalt  }
0x54: {  	_ =	shalt  }
0x55: {  	_ =	shalt  }
0x56: {  	_ =	shalt  }
0x57: {  	_ =	shalt  }
0x58: {  	_ =	shalt  }
0x59: {  	_ =	shalt  }
0x5a: {  	_ =	shalt  }
0x5b: {  	_ =	shalt  }
0x5c: {  	_ =	shalt  }
0x5d: {  	_ =	shalt  }
0x5e: {  	_ =	shalt  }
0x5f: {  	_ =	shalt  }
0x60: {  	_ =	shalt  }
0x61: {  	_ =	shalt  }
0x62: {  	_ =	shalt  }
0x63: {  	_ =	shalt  }
0x64: {  	_ =	shalt  }
0x65: {  	_ =	shalt  }
0x66: {  	_ =	shalt  }
0x67: {  	_ =	shalt  }
0x68: {  	_ =	shalt  }
0x69: {  	_ =	shalt  }
0x6a: {  	_ =	shalt  }
0x6b: {  	_ =	shalt  }
0x6c: {  	_ =	shalt  }
0x6d: {  	_ =	shalt  }
0x6e: {  	_ =	shalt  }
0x6f: {  	_ =	shalt  }
0x70: {  	_ =	shalt  }
0x71: {  	_ =	shalt  }
0x72: {  	_ =	shalt  }
0x73: {  	_ =	shalt  }
0x74: {  	_ =	shalt  }
0x75: {  	_ =	shalt  }
0x76: {  	_ =	shalt  }
0x77: {  	_ =	shalt  }
0x78: {  	_ =	shalt  }
0x79: {  	_ =	shalt  }
0x7a: {  	_ =	shalt  }
0x7b: {  	_ =	shalt  }
0x7c: {  	_ =	shalt  }
0x7d: {  	_ =	shalt  }
0x7e: {  	_ =	shalt  }
0x7f: {  	_ =	shalt  }
0x80: {  	_ =	shalt  }
0x81: {  	_ =	shalt  }
0x82: {  	_ =	shalt  }
0x83: {  	_ =	shalt  }
0x84: {  	_ =	shalt  }
0x85: {  	_ =	shalt  }
0x86: {  	_ =	shalt  }
0x87: {  	_ =	shalt  }
.Lfunc_end0:
.L_simem_size_0:
called_computation_lowered:
.L_overlay_start_0:
0x88: {  	s2 =	sld [smem:$0x3FD9]  }
0x89: {  	s3 =	sld [smem:$0x3FFE];
	_ =	sdelay $0x1  }
0x8a: {  	s1 =	srdreg.scid  }
0x8b: {  	s0 =	sand.u32 $0x1, s1  }
0x8c: {  	s14 =	sshll.u32 s0, $0xA;
	s2 =	sadd.s32 s3, s2  }
0x8d: {  	s2 =	sadd.s32 s2, s14  }
0x8e: {  	[smem:$0x3FC1] =	sst s2  }
0x8f: {  	_ = 	snop  }
0x90: {  	s2 =	sld [smem:$0x3FD0];
	_ =	sdelay $0x2  }
0x91: {  	s4 =	simm.s32 $0xA;
	s5 =	simm.s32 $0x10;
	s15 =	sld [smem:$0x3FC9]  }
0x92: {  	[smem:s5], [sflag:s4] =	dma.local [hbm:s2], $0x1  }
0x93: {  	_ =	swait.eq [sflag:s4], $0x1  }
0x94: {  	[sflag:s4] =	ssyncset.done $0x0  }
0x95: {  	[sflag:s4] =	ssyncadd.s32 $0xFFFFFFFF  }
0x96: {  	s16 =	sld [smem:$0x10];
	(tm) =	ssettm $0x1  }
0x97: {  	s17 =	sld [smem:$0x3FFB];
	_ =	sdelay $0x3  }
0x98: {  	_ =	strace s17  }
0x99: {  	s4 =	sld [smem:$0x3FFC];
	_ =	sdelay $0x3  }
0x9a: {  	_ =	strace s4  }
0x9b: {  	s4 =	sld [smem:$0x3FFD];
	_ =	sdelay $0x3  }
0x9c: {  	_ =	strace s4  }
0x9d: {  	_ =	strace $0x8FFFFFFF  }
0x9e: {  	s18 =	sld [smem:$0x3FDB];
	_ =	sdelay $0x1  }
0x9f: {  	s19 =	simm.s32 $_scs_section_size  }
0xa0: {  	s6 =	simm.s32 $_size__tile_overlayer_lowered;
	s7 =	simm.s32 $_tile_overlayer_lowered  }
0xa1: {  	s22 =	simm.s32 $0x1BFF;
	s21 =	sshll.u32 s7, $0x1;
	s4 =	sadd.s32 s19, s18  }
0xa2: {  	s8 =	simm.s32 $0x0;
	s20 =	sshll.u32 s6, $0x1;
	s6 =	sadd.s32 s21, s4  }
0xa3: {  	[timem:s8], [sflag:s22] =	dma.local [hbm:s6], s20  }
0xa4: {  	_ =	swait.ge [sflag:s22], s20  }
0xa5: {  	s5 =	ssub.s32 $0x0, s20;
	[sflag:s22] =	ssyncset.done $0x0  }
0xa6: {  	[sflag:s22] =	ssyncadd.s32 s5;
	_ =	sdelay $0x1  }
0xa7: {  	s23 =	simm.s32 $0x1B8B  }
0xa8: {  	_ =	swait.ge [sflag:s23], $0x1  }
0xa9: {  	[sflag:s23] =	ssyncset.done $0x0  }
0xaa: {  	s25 =	simm.s32 $0x1B8E;
	s24 =	sld [smem:$0x3FFE];
	[sflag:s23] =	ssyncadd.s32 $0xFFFFFFFF  }
0xab: {  	s26 =	simm.s32 $execute0_lowered;
	[smem:$0x3FD2] =	sst s25  }
0xac: {  	s6 =	sshll.u32 s26, $0x1;
	_ =	strace $0x80000046;
	[dreg:$0x1] =	wrdreg $0xFFFFFFFF  }
0xad: {  	s28 =	simm.s32 $_size_execute0_lowered;
	s4 =	sadd.s32 s4, s6;
	[dreg:$0x0] =	wrdreg $0x0  }
0xae: {  	s6 =	sshll.u32 s28, $0x1;
	[dreg:$0x2] =	wrdreg s4  }
0xaf: {  	[dreg:$0x3] =	wrdreg s6  }
0xb0: {  	[dreg:$0x4] =	wrdreg $0xC0  }
0xb1: {  	_ =	task [dreg:s8], $0x5FFFF  }
0xb2: {  	[dreg:$0x1] =	wrdreg $0xFFFFFFFF  }
0xb3: {  	[dreg:$0x0] =	wrdreg $0x60  }
0xb4: {  	[dreg:$0x2] =	wrdreg s15  }
0xb5: {  	[dreg:$0x3] =	wrdreg s24  }
0xb6: {  	[dreg:$0x4] =	wrdreg s16  }
0xb7: {  	[dreg:$0x5] =	wrdreg $0x9  }
0xb8: {  	_ =	task.clear_ibuf [dreg:s8], $0x6FFFF;
	_ =	strace $0x90000046  }
0xb9: {  	s29 =	simm.s32 $0x9;
	_ =	strace $0x80000048  }
0xba: {  	_ =	swait.ge [sflag:s29], $0x1  }
0xbb: {  	[sflag:s29] =	ssyncadd.s32 $0xFFFFFFFF  }
0xbc: {  	_ =	strace $0x90000048  }
0xbd: {  	_ =	sfence  }
0xbe: {  	s30 =	sld [smem:$0x0];
	_ =	sdelay $0x2  }
0xbf: {  	s31 =	sshll.u32 s1, $0xD;
	s1 =	sshrl.u32 s1, $0x2  }
0xc0: {  	s3 =	sand.u32 $0x4000, s31;
	s1 =	sadd.s32 s1, s30  }
0xc1: {  	s0 =	sor.u32 s3, s0;
	s1 =	sshll.u32 s1, $0x11  }
0xc2: {  	s0 =	sor.u32 s1, s0  }
0xc3: {  	s0 =	sadd.s32 $0x8F2B, s0  }
0xc4: {  	[sflag:s0] =	ssyncadd.remote.s32 $0x1  }
0xc5: {  	_ =	sfence.sel $0xFFFF  }
0xc6: {  	[dreg:$0x0] =	wrdreg $0xFFFFFFFF;
	(pc) =	sbr.abs _section_cstart, $3  }
0xc7: {  	[dreg:$0x1] =	wrdreg $0xFFFFFFFF  }
0xc8: {  	_ =	task.clear_ibuf [dreg:s8], $0x2FFFF;
	_ =	strace $0x9FFFFFFF  }
0xc9: {  	(tm) =	ssettm $0x7FFFFFFF  }
tec
execute0_lowered:
.L_overlay_start_1:
0x0: {  	(tag) =	ssettag $0x1  }
0x1: {  	s1 =	rddreg [dreg:$0x0]  }
0x2: {  	s5 =	rddreg [dreg:$0x1];
	s2 =	srdreg.scid  }
0x3: {  	s3 =	rddreg [dreg:$0x2];
	s0 =	stileid.u32;
	s23 =	simm.s32 $0x880  }
0x4: {  	s24 =	simm.s32 $0x1080;
	s25 =	simm.s32 $0x1880;
	s8 =	simm.s32 $0x80  }
0x5: {  	s26 =	simm.s32 $0x2080;
	s9 =	simm.s32 $0xC080;
	s11 =	simm.s32 $0x3080  }
0x6: {  	s12 =	simm.s32 $0x3880;
	s13 =	simm.s32 $0x4080;
	s14 =	simm.s32 $0x4880  }
0x7: {  	s15 =	simm.s32 $0x5080;
	s16 =	simm.s32 $0x5880;
	s17 =	simm.s32 $0x6080  }
0x8: {  	s18 =	simm.s32 $0x6880;
	s19 =	simm.s32 $0x7080;
	s28 =	simm.s32 $0xB080  }
0x9: {  	s4 =	sand.u32 $0x1, s2;
	[dreg:$0x4] =	wrdreg s3;
	s2 =	simm.s32 $0x0  }
0xa: {  	s29 =	simm.s32 $0xB880;
	s30 =	simm.s32 $0x40;
	[smem:$0x7FF] =	sst s2  }
0xb: {  	s31 =	simm.s32 $0x1;
	_ =	strace $0x80000047;
	[dreg:$0x8] =	wrdreg s23  }
0xc: {  	s20 =	sshll.u32 s0, $0x7;
	s6 =	sshll.u32 s4, $0x6;
	[dreg:$0x9] =	wrdreg s24  }
0xd: {  	s4 =	ssub.s32 $0x2, s4;
	s3 =	sor.u32 s6, s20;
	[dreg:$0xa] =	wrdreg s25  }
0xe: {  	s21 =	sshrl.u32 s4, $0x1;
	[dreg:$0xb] =	wrdreg s26;
	s20 =	simm.s32 $0x7880  }
0xf: {  	s23 =	simm.s32 $0x9080;
	s24 =	simm.s32 $0x9880;
	s25 =	simm.s32 $0xA080  }
0x10: {  	s26 =	simm.s32 $0xA880;
	s6 =	sshrl.u32 s3, $0x3;
	s3 =	sshll.u32 s3, $0x4  }
0x11: {  	s7 =	sadd.s32 s6, s5;
	s6 =	smul.u32 $0x300, s6;
	s3 =	sadd.s32 s3, s5  }
0x12: {  	s7 =	sadd.s32 $0x8A00, s7;
	s22 =	sadd.s32 $0xA00, s3;
	s3 =	sadd.s32 $0x8C00, s5  }
0x13: {  	[dreg:$0x5] =	wrdreg s7;
	s1 =	sadd.s32 s1, s6;
	s6 =	ssub.s32 s4, s21  }
0x14: {  	v2 =	vlaneseq.u32;
	[dreg:$0x7] =	wrdreg s22;
	s4 =	sadd.s32 $0x8D00, s5;
	s5 =	sadd.s32 $0x8E00, s5  }
0x15: {  	vm0 =	vmmov $0xffff;
	v1 =	vshrl.u32 v2, $0x3;
	s7 =	simm.s32 $0x3;
	s21 =	simm.s32 $0x8080;
	s22 =	simm.s32 $0x8880  }
0x16: {  	v0 =	vand.u32 $0x7, v2;
	v2 =	vor.u32 $0x8, v2;
	v1 =	vmul.u32 $0x8, v1;
	[dreg:$0x6] =	wrdreg s1;
	s6 =	smax.u32 s6, $0x1;
	s1 =	simm.s32 $0x2  }
.LBB2_1:
0x17: {  	s0 =	rddreg [dreg:$0x5]  }
0x18: {  	[tilespmem:s2], [sflag:$0x3] =	stream.linear.gather [hbm4b:s0+s2], $0x40, $0x38;
	[tilespmem:$0xE080] =	vst v63  }
0x19: {  	_ =	swait.ge [sflag:s7], $0x40  }
0x1a: {  	[sflag:s7] =	ssyncset.done $0x0  }
0x1b: {  	s10 =	rddreg [dreg:$0x6];
	[sflag:s7] =	ssyncadd.s32 $0xFFFFFFC0  }
0x1c: {  	[tilespmem:s8], [sflag:$0x3] =	stream.linear.gather [hbm4b:s10+s2], $0xC000, $0x38;
	[tilespmem:$0xE080] =	vst v63  }
0x1d: {  	_ =	swait.ge [sflag:s7], $0xC000  }
0x1e: {  	[sflag:s7] =	ssyncset.done $0x0  }
0x1f: {  	s10 =	rddreg [dreg:$0x7];
	[sflag:s7] =	ssyncadd.s32 $0xFFFF4000  }
0x20: {  	[tilespmem:s9], [sflag:$0x3] =	stream.linear.gather [hbm4b:s10+s2], $0x2000, $0x38;
	[tilespmem:$0xE080] =	vst v63  }
0x21: {  	_ =	swait.ge [sflag:s7], $0x2000  }
0x22: {  	[sflag:s7] =	ssyncset.done $0x0  }
0x23: {  	[sflag:s7] =	ssyncadd.s32 $0xFFFFE000  }
0x24: {  	v3 =	vld [tilespmem:$0x0];
	_ =	sdelay $0x4  }
0x25: {  	v4 =	vshrl.u32 v3, $0x3  }
0x26: {  	v4 =	vmul.u32 $0x30, v4  }
0x27: {  	v3 =	vand.u32 $0x7, v3  }
0x28: {  	v3 =	vor.u32 v3, v4  }
0x29: {  	v4 =	vperm.xlane v3, v0;
	_ =	sdelay $0x1  }
0x2a: {  	v4 =	vadd.s32 v1, v4;
	_ =	sdelay $0x3  }
0x2b: {  	v3 =	vperm.xlane v3, v2  }
0x2c: {  	[hbm4b:s3+s2] =	stream.indirect_vreg.scatter [tilespmem:s8], [sflag:$0x1], $0x80, v4, vm0, $0xb8;
	[tilespmem:$0xE080] =	vst v63  }
0x2d: {  	s0 =	rddreg [dreg:$0x8];
	v3 =	vadd.s32 v1, v3  }
0x2e: {  	[hbm4b:s4+s2] =	stream.indirect_vreg.scatter [tilespmem:s0], [sflag:$0x1], $0x80, v4, vm0, $0xb8;
	[tilespmem:$0xE080] =	vst v63  }
0x2f: {  	s10 =	rddreg [dreg:$0x9]  }
0x30: {  	[hbm4b:s5+s2] =	stream.indirect_vreg.scatter [tilespmem:s10], [sflag:$0x1], $0x80, v4, vm0, $0xb8;
	[tilespmem:$0xE080] =	vst v63  }
0x31: {  	s0 =	rddreg [dreg:$0xa]  }
0x32: {  	[hbm4b:s3+s2] =	stream.indirect_vreg.scatter [tilespmem:s0], [sflag:$0x1], $0x80, v3, vm0, $0xb8;
	[tilespmem:$0xE080] =	vst v63  }
0x33: {  	s10 =	rddreg [dreg:$0xb]  }
0x34: {  	[hbm4b:s4+s2] =	stream.indirect_vreg.scatter [tilespmem:s10], [sflag:$0x1], $0x80, v3, vm0, $0xb8;
	[tilespmem:$0xE080] =	vst v63  }
0x35: {  	s10 =	simm.s32 $0x2880  }
0x36: {  	[hbm4b:s5+s2] =	stream.indirect_vreg.scatter [tilespmem:s10], [sflag:$0x1], $0x80, v3, vm0, $0xb8;
	[tilespmem:$0xE080] =	vst v63  }
0x37: {  	v3 =	vld [tilespmem:$0x10];
	_ =	sdelay $0x4  }
0x38: {  	v61 =	vshrl.u32 v3, $0x3  }
0x39: {  	v4 =	vmul.u32 $0x30, v61  }
0x3a: {  	v3 =	vand.u32 $0x7, v3  }
0x3b: {  	v3 =	vor.u32 v3, v4  }
0x3c: {  	v4 =	vperm.xlane v3, v0;
	_ =	sdelay $0x1  }
0x3d: {  	v4 =	vadd.s32 v1, v4;
	_ =	sdelay $0x3  }
0x3e: {  	v3 =	vperm.xlane v3, v2  }
0x3f: {  	[hbm4b:s3+s2] =	stream.indirect_vreg.scatter [tilespmem:s11], [sflag:$0x1], $0x80, v4, vm0, $0xb8;
	[tilespmem:$0xE080] =	vst v63  }
0x40: {  	v3 =	vadd.s32 v1, v3  }
0x41: {  	[hbm4b:s4+s2] =	stream.indirect_vreg.scatter [tilespmem:s12], [sflag:$0x1], $0x80, v4, vm0, $0xb8;
	[tilespmem:$0xE080] =	vst v63  }
0x42: {  	_ = 	snop  }
0x43: {  	[hbm4b:s5+s2] =	stream.indirect_vreg.scatter [tilespmem:s13], [sflag:$0x1], $0x80, v4, vm0, $0xb8;
	[tilespmem:$0xE080] =	vst v63  }
0x44: {  	_ = 	snop  }
0x45: {  	[hbm4b:s3+s2] =	stream.indirect_vreg.scatter [tilespmem:s14], [sflag:$0x1], $0x80, v3, vm0, $0xb8;
	[tilespmem:$0xE080] =	vst v63  }
0x46: {  	_ = 	snop  }
0x47: {  	[hbm4b:s4+s2] =	stream.indirect_vreg.scatter [tilespmem:s15], [sflag:$0x1], $0x80, v3, vm0, $0xb8;
	[tilespmem:$0xE080] =	vst v63  }
0x48: {  	_ = 	snop  }
0x49: {  	[hbm4b:s5+s2] =	stream.indirect_vreg.scatter [tilespmem:s16], [sflag:$0x1], $0x80, v3, vm0, $0xb8;
	[tilespmem:$0xE080] =	vst v63  }
0x4a: {  	v3 =	vld [tilespmem:$0x20];
	_ =	sdelay $0x4  }
0x4b: {  	v62 =	vshrl.u32 v3, $0x3  }
0x4c: {  	v4 =	vmul.u32 $0x30, v62  }
0x4d: {  	v3 =	vand.u32 $0x7, v3  }
0x4e: {  	v3 =	vor.u32 v3, v4  }
0x4f: {  	v4 =	vperm.xlane v3, v0;
	_ =	sdelay $0x1  }
0x50: {  	v4 =	vadd.s32 v1, v4;
	_ =	sdelay $0x3  }
0x51: {  	v3 =	vperm.xlane v3, v2  }
0x52: {  	[hbm4b:s3+s2] =	stream.indirect_vreg.scatter [tilespmem:s17], [sflag:$0x1], $0x80, v4, vm0, $0xb8;
	[tilespmem:$0xE080] =	vst v63  }
0x53: {  	v3 =	vadd.s32 v1, v3  }
0x54: {  	[hbm4b:s4+s2] =	stream.indirect_vreg.scatter [tilespmem:s18], [sflag:$0x1], $0x80, v4, vm0, $0xb8;
	[tilespmem:$0xE080] =	vst v63  }
0x55: {  	_ = 	snop  }
0x56: {  	[hbm4b:s5+s2] =	stream.indirect_vreg.scatter [tilespmem:s19], [sflag:$0x1], $0x80, v4, vm0, $0xb8;
	[tilespmem:$0xE080] =	vst v63  }
0x57: {  	_ = 	snop  }
0x58: {  	[hbm4b:s3+s2] =	stream.indirect_vreg.scatter [tilespmem:s20], [sflag:$0x1], $0x80, v3, vm0, $0xb8;
	[tilespmem:$0xE080] =	vst v63  }
0x59: {  	_ = 	snop  }
0x5a: {  	[hbm4b:s4+s2] =	stream.indirect_vreg.scatter [tilespmem:s21], [sflag:$0x1], $0x80, v3, vm0, $0xb8;
	[tilespmem:$0xE080] =	vst v63  }
0x5b: {  	_ = 	snop  }
0x5c: {  	[hbm4b:s5+s2] =	stream.indirect_vreg.scatter [tilespmem:s22], [sflag:$0x1], $0x80, v3, vm0, $0xb8;
	[tilespmem:$0xE080] =	vst v63  }
0x5d: {  	v3 =	vld [tilespmem:$0x30];
	_ =	sdelay $0x4  }
0x5e: {  	v63 =	vshrl.u32 v3, $0x3  }
0x5f: {  	v4 =	vmul.u32 $0x30, v63  }
0x60: {  	v3 =	vand.u32 $0x7, v3  }
0x61: {  	v3 =	vor.u32 v3, v4  }
0x62: {  	v4 =	vperm.xlane v3, v0;
	_ =	sdelay $0x1  }
0x63: {  	v4 =	vadd.s32 v1, v4;
	_ =	sdelay $0x3  }
0x64: {  	v3 =	vperm.xlane v3, v2  }
0x65: {  	[hbm4b:s3+s2] =	stream.indirect_vreg.scatter [tilespmem:s23], [sflag:$0x1], $0x80, v4, vm0, $0xb8;
	[tilespmem:$0xE080] =	vst v63  }
0x66: {  	v3 =	vadd.s32 v1, v3  }
0x67: {  	[hbm4b:s4+s2] =	stream.indirect_vreg.scatter [tilespmem:s24], [sflag:$0x1], $0x80, v4, vm0, $0xb8;
	[tilespmem:$0xE080] =	vst v63  }
0x68: {  	_ = 	snop  }
0x69: {  	[hbm4b:s5+s2] =	stream.indirect_vreg.scatter [tilespmem:s25], [sflag:$0x1], $0x80, v4, vm0, $0xb8;
	[tilespmem:$0xE080] =	vst v63  }
0x6a: {  	_ = 	snop  }
0x6b: {  	[hbm4b:s3+s2] =	stream.indirect_vreg.scatter [tilespmem:s26], [sflag:$0x1], $0x80, v3, vm0, $0xb8;
	[tilespmem:$0xE080] =	vst v63  }
0x6c: {  	_ = 	snop  }
0x6d: {  	[hbm4b:s4+s2] =	stream.indirect_vreg.scatter [tilespmem:s28], [sflag:$0x1], $0x80, v3, vm0, $0xb8;
	[tilespmem:$0xE080] =	vst v63  }
0x6e: {  	_ = 	snop  }
0x6f: {  	[hbm4b:s5+s2] =	stream.indirect_vreg.scatter [tilespmem:s29], [sflag:$0x1], $0x80, v3, vm0, $0xb8;
	[tilespmem:$0xE080] =	vst v63  }
0x70: {  	s10 =	rddreg [dreg:$0x4]  }
0x71: {  	[hbm4b:s10+s30] =	stream.indirect.scatter [tilespmem:s9], [sflag:$0x2], $0x80, s2, s30, $0xb8;
	[tilespmem:$0xE080] =	vst v63  }
0x72: {  	p0 =	sne.s32 s6, $0x1;
	_ =	swait.ge [sflag:s31], $0xC000  }
.Ltmp0:
0x73: {  	[sflag:s31] =	ssyncset.done $0x0;
	(pc) =	sbr.rel @p0 .LBB2_1-.Ltmp0, $4  }
0x74: {  	[sflag:s31] =	ssyncadd.s32 $0xFFFF4000  }
0x75: {  	_ =	swait.ge [sflag:s1], $0x2000  }
0x76: {  	[sflag:s1] =	ssyncset.done $0x0  }
0x77: {  	s6 =	sadd.s32 $0xFFFFFFFF, s6;
	[sflag:s1] =	ssyncadd.s32 $0xFFFFE000  }
0x78: {  	_ =	sfence.sel $0x180000  }
0x79: {  	[bflag:$0x0] =	sbarrier.arrive $0xFFFF  }
0x7a: {  	_ =	strace $0x90000047  }
0x7b: {  	s0 =	stileid.u32;
	[bflag:$0x2] =	sbarrier.arrive $0xFFFF  }
0x7c: {  	p0 =	sne.s32 s0, $0x0;
	s0 =	rddreg [dreg:$0x3]  }
0x7d: {  	s0 =	sadd.s32 @!p0 $0x100000, s0  }
0x7e: {  	[sflag:s0] =	ssyncadd.tile.s32 @!p0 $0x1;
	_ =	shalt  }
.Lfunc_end2:
_tile_overlayer_lowered:
.L_overlay_start_2:
0x7f: {  	(tag) =	ssettag $0x2  }
0x80: {  	s0 =	rddreg [dreg:$0x0];
	s2 =	stileid.u32  }
0x81: {  	s1 =	rddreg [dreg:$0x1];
	p0 =	sne.s32 s2, $0x0  }
0x82: {  	s3 =	rddreg [dreg:$0x2];
	[bflag:$0x3] =	sbarrier.arrive $0xFFFF;
	s2 =	simm.s32 @!p0 $0x1C03  }
0x83: {  	[timem:s3], [sflag:s2] =	dma.local @!p0 [hbm:s0], s1  }
0x84: {  	s0 =	simm.s32 @!p0 $0x3  }
0x85: {  	_ =	swait.ge @!p0 [sflag:s0], s1  }
0x86: {  	s1 =	ssub.s32 @!p0 $0x0, s1;
	[sflag:s0] =	ssyncset.done @!p0 $0x0  }
0x87: {  	[sflag:s0] =	ssyncadd.s32 @!p0 s1  }
0x88: {  	[bflag:$0x3] =	sbarrier.arrive $0xFFFF  }
0x89: {  	_ =	shalt  }

// kernel: kernel.9.cloned.1.call-start
scs
__scs_entry_jumppad:
0x0: {  	(pc) =	sbr.rel $0x88, $3  }
0x1: {  	(tag) =	ssettag $0x0;
	lr =	simm.s32 $0x1  }
0x2: {  	[smem:$0x3F9A] =	sst lr;
	_ =	strace $0xD0000000  }
0x3: {  	_ = 	snop  }
0x4: {  	_ = 	snop  }
0x5: {  	_ = 	snop  }
0x6: {  	_ = 	snop  }
0x7: {  	_ = 	snop  }
__scs_overlays_trampoline_lowered:
0x8: {  	[smem:$0x3FA9] =	sst s0  }
0x9: {  	[smem:$0x3FAA] =	sst s1  }
0xa: {  	[smem:$0x3FAB] =	sst s2  }
0xb: {  	[smem:$0x3FAC] =	sst s3  }
0xc: {  	[smem:$0x3FAD] =	sst s4  }
0xd: {  	[smem:$0x3FAE] =	sst s5  }
0xe: {  	[smem:$0x3FAF] =	sst s6  }
0xf: {  	[smem:$0x3FB0] =	sst s7  }
0x10: {  	[smem:$0x3FB1] =	sst s8  }
0x11: {  	[smem:$0x3FB2] =	sst s9;
	s0 =	simm.s32 @!p0 $0x0  }
0x12: {  	s1 =	sld [smem:$0x3F98];
	s0 =	simm.s32 @p0 $0x1  }
0x13: {  	[smem:$0x3FB3] =	sst s0;
	s0 =	simm.s32 @!p1 $0x0  }
0x14: {  	s2 =	sld [smem:$0x3F97];
	s0 =	simm.s32 @p1 $0x1  }
0x15: {  	[smem:$0x3FB4] =	sst s0;
	s0 =	simm.s32 @!p2 $0x0  }
0x16: {  	s3 =	sld [smem:$0x3FDB];
	s0 =	simm.s32 @p2 $0x1  }
0x17: {  	s4 =	simm.s32 $0x1BF5;
	[smem:$0x3FB6] =	sst s0  }
0x18: {  	s0 =	sld [smem:$0x3F99];
	_ =	swait.ge [sflag:s4], $0x0  }
0x19: {  	s7 =	sld [smem:$0x3F9A]  }
0x1a: {  	s8 =	sadd.s32 $0xFFFFE003, lr  }
0x1b: {  	s9 =	sadd.s32 $0xFFFFFEF7, lr;
	s5 =	simm.s32 $0xFFFFFFFF;
	p2 =	slt.u32 s8, $0xFFFFF086  }
0x1c: {  	p1 =	slt.u32 s9, $0xF7A;
	s5 =	simm.s32 @!p2 $0x0  }
0x1d: {  	s5 =	simm.s32 @p1 $0x1;
	p0 =	seq.s32 s7, s2  }
0x1e: {  	s7 =	smul.u32 @!p0 $0xF7A, s2;
	p2 =	seq.s32 @!p0 s5, $0x0  }
0x1f: {  	s9 =	smul.u32 $0xF7A, s1;
	s8 =	simm.s32 @!p0 $0x1BF5;
	p2 =	por !p2, p0  }
0x20: {  	[sflag:s8] =	ssyncset.s32 @!p0 $0xFFFFF086;
	s6 =	sadd.s32 @!p0 s3, s7;
	s7 =	simm.s32 @!p0 $0x108  }
0x21: {  	s3 =	sadd.s32 s3, s9;
	s6 =	sadd.s32 @!p0 $0x88, s6;
	s7 =	simm.s32 @p2 $0x1082  }
0x22: {  	[simem:s7], [sflag:s8] =	dma.local @!p0 [hbm:s6], $0xF7A  }
0x23: {  	s9 =	sor.u32 $0xD0000000, s2;
	s6 =	simm.s32 $0x108;
	_ =	swait.ge @!p0 [sflag:s8], $0x0  }
0x24: {  	s3 =	sadd.s32 $0x88, s3;
	s6 =	simm.s32 @!p1 $0x1082;
	[sflag:s4] =	ssyncset.s32 $0xFFFFF086  }
0x25: {  	[simem:s6], [sflag:s4] =	dma.local [hbm:s3], $0xF7A  }
0x26: {  	[smem:$0x3F9A] =	sst s1;
	(tag) =	ssettag s2;
	_ =	strace s9  }
0x27: {  	s1 =	sld [smem:$0x3FAA]  }
0x28: {  	s2 =	sld [smem:$0x3FAB]  }
0x29: {  	s4 =	sld [smem:$0x3FAD]  }
0x2a: {  	p0 =	seq.s32 s5, $0x0;
	s5 =	sld [smem:$0x3FAE]  }
0x2b: {  	s6 =	sld [smem:$0x3FAF]  }
0x2c: {  	s7 =	sld [smem:$0x3FB0]  }
0x2d: {  	s3 =	simm.s32 $0x108;
	s8 =	sld [smem:$0x3FB1]  }
0x2e: {  	s3 =	simm.s32 @!p0 $0x1082;
	s9 =	sld [smem:$0x3FB2]  }
0x2f: {  	lr =	sadd.s32 s0, s3;
	s0 =	sld [smem:$0x3FA9]  }
0x30: {  	s3 =	sld [smem:$0x3FAC]  }
0x31: {  	[smem:$0x3FB5] =	sst s10  }
0x32: {  	s10 =	sld [smem:$0x3FB3];
	_ =	sdelay $0x3  }
0x33: {  	p0 =	seq.s32 s10, $0x1;
	s10 =	sld [smem:$0x3FB5];
	_ =	sdelay $0x3  }
0x34: {  	[smem:$0x3FB5] =	sst s10  }
0x35: {  	s10 =	sld [smem:$0x3FB4];
	_ =	sdelay $0x3  }
0x36: {  	p1 =	seq.s32 s10, $0x1;
	s10 =	sld [smem:$0x3FB5];
	_ =	sdelay $0x3  }
0x37: {  	[smem:$0x3FB5] =	sst s10  }
0x38: {  	s10 =	sld [smem:$0x3FB6]  }
0x39: {  	_ = 	snop;
	(pc) =	sbr.ind lr, $3  }
0x3a: {  	_ = 	snop  }
0x3b: {  	_ = 	snop  }
0x3c: {  	p2 =	seq.s32 s10, $0x1;
	s10 =	sld [smem:$0x3FB5]  }
0x3d: {  	_ =	shalt  }
0x3e: {  	_ =	shalt  }
0x3f: {  	_ =	shalt  }
0x40: {  	_ =	shalt  }
0x41: {  	_ =	shalt  }
0x42: {  	_ =	shalt  }
0x43: {  	_ =	shalt  }
0x44: {  	_ =	shalt  }
0x45: {  	_ =	shalt  }
0x46: {  	_ =	shalt  }
0x47: {  	_ =	shalt  }
0x48: {  	_ =	shalt  }
0x49: {  	_ =	shalt  }
0x4a: {  	_ =	shalt  }
0x4b: {  	_ =	shalt  }
0x4c: {  	_ =	shalt  }
0x4d: {  	_ =	shalt  }
0x4e: {  	_ =	shalt  }
0x4f: {  	_ =	shalt  }
0x50: {  	_ =	shalt  }
0x51: {  	_ =	shalt  }
0x52: {  	_ =	shalt  }
0x53: {  	_ =	shalt  }
0x54: {  	_ =	shalt  }
0x55: {  	_ =	shalt  }
0x56: {  	_ =	shalt  }
0x57: {  	_ =	shalt  }
0x58: {  	_ =	shalt  }
0x59: {  	_ =	shalt  }
0x5a: {  	_ =	shalt  }
0x5b: {  	_ =	shalt  }
0x5c: {  	_ =	shalt  }
0x5d: {  	_ =	shalt  }
0x5e: {  	_ =	shalt  }
0x5f: {  	_ =	shalt  }
0x60: {  	_ =	shalt  }
0x61: {  	_ =	shalt  }
0x62: {  	_ =	shalt  }
0x63: {  	_ =	shalt  }
0x64: {  	_ =	shalt  }
0x65: {  	_ =	shalt  }
0x66: {  	_ =	shalt  }
0x67: {  	_ =	shalt  }
0x68: {  	_ =	shalt  }
0x69: {  	_ =	shalt  }
0x6a: {  	_ =	shalt  }
0x6b: {  	_ =	shalt  }
0x6c: {  	_ =	shalt  }
0x6d: {  	_ =	shalt  }
0x6e: {  	_ =	shalt  }
0x6f: {  	_ =	shalt  }
0x70: {  	_ =	shalt  }
0x71: {  	_ =	shalt  }
0x72: {  	_ =	shalt  }
0x73: {  	_ =	shalt  }
0x74: {  	_ =	shalt  }
0x75: {  	_ =	shalt  }
0x76: {  	_ =	shalt  }
0x77: {  	_ =	shalt  }
0x78: {  	_ =	shalt  }
0x79: {  	_ =	shalt  }
0x7a: {  	_ =	shalt  }
0x7b: {  	_ =	shalt  }
0x7c: {  	_ =	shalt  }
0x7d: {  	_ =	shalt  }
0x7e: {  	_ =	shalt  }
0x7f: {  	_ =	shalt  }
0x80: {  	_ =	shalt  }
0x81: {  	_ =	shalt  }
0x82: {  	_ =	shalt  }
0x83: {  	_ =	shalt  }
0x84: {  	_ =	shalt  }
0x85: {  	_ =	shalt  }
0x86: {  	_ =	shalt  }
0x87: {  	_ =	shalt  }
.Lfunc_end0:
.L_simem_size_0:
called_computation.1_lowered:
.L_overlay_start_0:
0x88: {  	s2 =	sld [smem:$0x3FD9]  }
0x89: {  	s3 =	sld [smem:$0x3FFE];
	_ =	sdelay $0x1  }
0x8a: {  	s1 =	srdreg.scid  }
0x8b: {  	s0 =	sand.u32 $0x1, s1  }
0x8c: {  	s16 =	sshll.u32 s0, $0xA;
	s2 =	sadd.s32 s3, s2  }
0x8d: {  	s2 =	sadd.s32 s2, s16  }
0x8e: {  	[smem:$0x3FC1] =	sst s2  }
0x8f: {  	_ = 	snop  }
0x90: {  	(tm) =	ssettm $0x1  }
0x91: {  	s17 =	sld [smem:$0x3FFB];
	_ =	sdelay $0x3  }
0x92: {  	_ =	strace s17  }
0x93: {  	s2 =	sld [smem:$0x3FFC];
	_ =	sdelay $0x3  }
0x94: {  	_ =	strace s2  }
0x95: {  	s2 =	sld [smem:$0x3FFD];
	_ =	sdelay $0x3  }
0x96: {  	_ =	strace s2  }
0x97: {  	_ =	strace $0x8FFFFFFF  }
0x98: {  	s18 =	sld [smem:$0x3FDB];
	_ =	sdelay $0x1  }
0x99: {  	s19 =	simm.s32 $_scs_section_size  }
0x9a: {  	s4 =	simm.s32 $_size__tile_overlayer_lowered;
	s5 =	simm.s32 $_tile_overlayer_lowered  }
0x9b: {  	s22 =	simm.s32 $0x1BFF;
	s21 =	sshll.u32 s5, $0x1;
	s2 =	sadd.s32 s19, s18  }
0x9c: {  	s6 =	simm.s32 $0x0;
	s20 =	sshll.u32 s4, $0x1;
	s4 =	sadd.s32 s21, s2  }
0x9d: {  	[timem:s6], [sflag:s22] =	dma.local [hbm:s4], s20  }
0x9e: {  	_ =	swait.ge [sflag:s22], s20  }
0x9f: {  	s3 =	ssub.s32 $0x0, s20;
	[sflag:s22] =	ssyncset.done $0x0  }
0xa0: {  	[sflag:s22] =	ssyncadd.s32 s3;
	_ =	sdelay $0x1  }
0xa1: {  	s23 =	simm.s32 $0x1B8B  }
0xa2: {  	_ =	swait.ge [sflag:s23], $0x1  }
0xa3: {  	[sflag:s23] =	ssyncset.done $0x0  }
0xa4: {  	s25 =	simm.s32 $0x1B8E;
	s24 =	sld [smem:$0x3FFE];
	[sflag:s23] =	ssyncadd.s32 $0xFFFFFFFF  }
0xa5: {  	s26 =	simm.s32 $execute0_lowered;
	[smem:$0x3FD2] =	sst s25  }
0xa6: {  	s4 =	sshll.u32 s26, $0x1;
	_ =	strace $0x80000049;
	[dreg:$0x1] =	wrdreg $0xFFFFFFFF  }
0xa7: {  	s28 =	simm.s32 $_size_execute0_lowered;
	s2 =	sadd.s32 s2, s4;
	[dreg:$0x0] =	wrdreg $0x0  }
0xa8: {  	s4 =	sshll.u32 s28, $0x1;
	[dreg:$0x2] =	wrdreg s2  }
0xa9: {  	[dreg:$0x3] =	wrdreg s4  }
0xaa: {  	[dreg:$0x4] =	wrdreg $0xC0  }
0xab: {  	_ =	task [dreg:s6], $0x5FFFF  }
0xac: {  	[dreg:$0x1] =	wrdreg $0xFFFFFFFF  }
0xad: {  	[dreg:$0x0] =	wrdreg $0x60  }
0xae: {  	[dreg:$0x2] =	wrdreg s24  }
0xaf: {  	[dreg:$0x3] =	wrdreg $0x9  }
0xb0: {  	_ =	task.clear_ibuf [dreg:s6], $0x4FFFF;
	_ =	strace $0x90000049  }
0xb1: {  	s29 =	simm.s32 $0x9;
	_ =	strace $0x8000004B  }
0xb2: {  	_ =	swait.ge [sflag:s29], $0x1  }
0xb3: {  	[sflag:s29] =	ssyncadd.s32 $0xFFFFFFFF  }
0xb4: {  	_ =	strace $0x9000004B  }
0xb5: {  	_ =	sfence  }
0xb6: {  	s30 =	sld [smem:$0x0];
	_ =	sdelay $0x2  }
0xb7: {  	s31 =	sshll.u32 s1, $0xD;
	s1 =	sshrl.u32 s1, $0x2  }
0xb8: {  	s3 =	sand.u32 $0x4000, s31;
	s1 =	sadd.s32 s1, s30  }
0xb9: {  	s0 =	sor.u32 s3, s0;
	s1 =	sshll.u32 s1, $0x11  }
0xba: {  	s0 =	sor.u32 s1, s0  }
0xbb: {  	s0 =	sadd.s32 $0x8F2B, s0  }
0xbc: {  	[sflag:s0] =	ssyncadd.remote.s32 $0x1  }
0xbd: {  	_ =	sfence.sel $0xFFFF  }
0xbe: {  	[dreg:$0x0] =	wrdreg $0xFFFFFFFF;
	(pc) =	sbr.abs _section_cstart, $3  }
0xbf: {  	[dreg:$0x1] =	wrdreg $0xFFFFFFFF  }
0xc0: {  	_ =	task.clear_ibuf [dreg:s6], $0x2FFFF;
	_ =	strace $0x9FFFFFFF  }
0xc1: {  	(tm) =	ssettm $0x7FFFFFFF  }
tec
execute0_lowered:
.L_overlay_start_1:
0x0: {  	(tag) =	ssettag $0x1  }
0x1: {  	s1 =	srdreg.scid;
	s0 =	stileid.u32  }
0x2: {  	s5 =	rddreg [dreg:$0x0];
	s15 =	simm.s32 $0x880;
	s16 =	simm.s32 $0x1080  }
0x3: {  	s17 =	simm.s32 $0x1880;
	s1 =	sand.u32 $0x1, s1;
	s2 =	sshll.u32 s0, $0x1  }
0x4: {  	s18 =	simm.s32 $0x2080;
	s3 =	sor.u32 s1, s2;
	s2 =	simm.s32 $0x0  }
0x5: {  	s19 =	simm.s32 $0x2880;
	s20 =	simm.s32 $0x3080;
	[smem:$0x7FF] =	sst s2  }
0x6: {  	s21 =	simm.s32 $0x3880;
	_ =	strace $0x8000004A;
	[dreg:$0x4] =	wrdreg s15  }
0x7: {  	s22 =	simm.s32 $0x4080;
	s23 =	simm.s32 $0x4880;
	[dreg:$0x5] =	wrdreg s16  }
0x8: {  	s7 =	simm.s32 $0x5080;
	s24 =	simm.s32 $0x5880;
	[dreg:$0x6] =	wrdreg s17  }
0x9: {  	s25 =	simm.s32 $0x6080;
	s8 =	simm.s32 $0x80;
	[dreg:$0x7] =	wrdreg s18  }
0xa: {  	s26 =	simm.s32 $0x6880;
	s10 =	simm.s32 $0x7880;
	[dreg:$0x8] =	wrdreg s19  }
0xb: {  	s11 =	simm.s32 $0x8080;
	s12 =	simm.s32 $0x8880;
	[dreg:$0x9] =	wrdreg s20  }
0xc: {  	s13 =	simm.s32 $0x9080;
	s14 =	simm.s32 $0x9880;
	[dreg:$0xa] =	wrdreg s21  }
0xd: {  	s28 =	simm.s32 $0x10080;
	s29 =	simm.s32 $0x10880;
	[dreg:$0xb] =	wrdreg s22  }
0xe: {  	s30 =	simm.s32 $0x11080;
	s31 =	simm.s32 $0x11880;
	[dreg:$0xc] =	wrdreg s23  }
0xf: {  	s1 =	ssub.s32 $0x2, s1;
	s4 =	smul.u32 $0xC, s3;
	[dreg:$0xd] =	wrdreg s7  }
0x10: {  	s3 =	smul.u32 $0x2400, s3;
	s6 =	sshrl.u32 s1, $0x1;
	[dreg:$0xe] =	wrdreg s24  }
0x11: {  	s1 =	ssub.s32 s1, s6;
	s7 =	simm.s32 $0x2;
	[dreg:$0xf] =	wrdreg s25  }
0x12: {  	[dreg:$0x10] =	wrdreg s26;
	s15 =	simm.s32 $0xA080;
	s16 =	simm.s32 $0xA880  }
0x13: {  	s17 =	simm.s32 $0xB080;
	s18 =	simm.s32 $0xB880;
	s19 =	simm.s32 $0xC080  }
0x14: {  	s20 =	simm.s32 $0xC880;
	s21 =	simm.s32 $0xD080;
	s22 =	simm.s32 $0xD880  }
0x15: {  	s23 =	simm.s32 $0xE080;
	s24 =	simm.s32 $0xE880;
	s4 =	sadd.s32 s4, s5  }
0x16: {  	s25 =	simm.s32 $0xF080;
	s3 =	sadd.s32 s3, s5;
	s4 =	sadd.s32 $0x50C00, s4  }
0x17: {  	v2 =	vlaneseq.u32;
	s26 =	simm.s32 $0xF880;
	s3 =	sadd.s32 $0xA00, s3;
	[dreg:$0x2] =	wrdreg s4  }
0x18: {  	vm0 =	vmmov $0xffff;
	v1 =	vshrl.u32 v2, $0x3;
	s6 =	smax.u32 s1, $0x1;
	s1 =	simm.s32 $0x1;
	[dreg:$0x3] =	wrdreg s3  }
0x19: {  	v0 =	vand.u32 $0x7, v2;
	v2 =	vor.u32 $0x8, v2;
	v1 =	vmul.u32 $0x8, v1;
	s3 =	sadd.s32 $0x50E00, s5;
	s4 =	sadd.s32 $0x50F00, s5;
	s5 =	sadd.s32 $0x51000, s5  }
.LBB2_1:
0x1a: {  	s0 =	rddreg [dreg:$0x2]  }
0x1b: {  	[tilespmem:s2], [sflag:$0x2] =	stream.linear.gather [hbm4b:s0+s2], $0x60, $0x38;
	[tilespmem:$0x12080] =	vst v63  }
0x1c: {  	_ =	swait.ge [sflag:s7], $0x60  }
0x1d: {  	[sflag:s7] =	ssyncset.done $0x0  }
0x1e: {  	s9 =	rddreg [dreg:$0x3];
	[sflag:s7] =	ssyncadd.s32 $0xFFFFFFA0  }
0x1f: {  	[tilespmem:s8], [sflag:$0x2] =	stream.linear.gather [hbm4b:s9+s2], $0x12000, $0x38;
	[tilespmem:$0x12080] =	vst v63  }
0x20: {  	_ =	swait.ge [sflag:s7], $0x12000  }
0x21: {  	[sflag:s7] =	ssyncset.done $0x0  }
0x22: {  	[sflag:s7] =	ssyncadd.s32 $0xFFFEE000  }
0x23: {  	v3 =	vld [tilespmem:$0x0];
	_ =	sdelay $0x4  }
0x24: {  	v4 =	vshrl.u32 v3, $0x3  }
0x25: {  	v4 =	vmul.u32 $0x30, v4  }
0x26: {  	v3 =	vand.u32 $0x7, v3  }
0x27: {  	v3 =	vor.u32 v3, v4  }
0x28: {  	v4 =	vperm.xlane v3, v0;
	_ =	sdelay $0x1  }
0x29: {  	v4 =	vadd.s32 v1, v4;
	_ =	sdelay $0x3  }
0x2a: {  	v3 =	vperm.xlane v3, v2  }
0x2b: {  	[hbm4b:s3+s2] =	stream.indirect_vreg.scatter [tilespmem:s8], [sflag:$0x1], $0x80, v4, vm0, $0xb8;
	[tilespmem:$0x12080] =	vst v63  }
0x2c: {  	s0 =	rddreg [dreg:$0x4];
	v3 =	vadd.s32 v1, v3  }
0x2d: {  	[hbm4b:s4+s2] =	stream.indirect_vreg.scatter [tilespmem:s0], [sflag:$0x1], $0x80, v4, vm0, $0xb8;
	[tilespmem:$0x12080] =	vst v63  }
0x2e: {  	s9 =	rddreg [dreg:$0x5]  }
0x2f: {  	[hbm4b:s5+s2] =	stream.indirect_vreg.scatter [tilespmem:s9], [sflag:$0x1], $0x80, v4, vm0, $0xb8;
	[tilespmem:$0x12080] =	vst v63  }
0x30: {  	s0 =	rddreg [dreg:$0x6]  }
0x31: {  	[hbm4b:s3+s2] =	stream.indirect_vreg.scatter [tilespmem:s0], [sflag:$0x1], $0x80, v3, vm0, $0xb8;
	[tilespmem:$0x12080] =	vst v63  }
0x32: {  	s9 =	rddreg [dreg:$0x7]  }
0x33: {  	[hbm4b:s4+s2] =	stream.indirect_vreg.scatter [tilespmem:s9], [sflag:$0x1], $0x80, v3, vm0, $0xb8;
	[tilespmem:$0x12080] =	vst v63  }
0x34: {  	s0 =	rddreg [dreg:$0x8]  }
0x35: {  	[hbm4b:s5+s2] =	stream.indirect_vreg.scatter [tilespmem:s0], [sflag:$0x1], $0x80, v3, vm0, $0xb8;
	[tilespmem:$0x12080] =	vst v63  }
0x36: {  	v3 =	vld [tilespmem:$0x10];
	_ =	sdelay $0x4  }
0x37: {  	v59 =	vshrl.u32 v3, $0x3  }
0x38: {  	v4 =	vmul.u32 $0x30, v59  }
0x39: {  	v3 =	vand.u32 $0x7, v3  }
0x3a: {  	v3 =	vor.u32 v3, v4  }
0x3b: {  	v4 =	vperm.xlane v3, v0;
	_ =	sdelay $0x1  }
0x3c: {  	v4 =	vadd.s32 v1, v4;
	_ =	sdelay $0x3  }
0x3d: {  	s0 =	rddreg [dreg:$0x9];
	v3 =	vperm.xlane v3, v2  }
0x3e: {  	[hbm4b:s3+s2] =	stream.indirect_vreg.scatter [tilespmem:s0], [sflag:$0x1], $0x80, v4, vm0, $0xb8;
	[tilespmem:$0x12080] =	vst v63  }
0x3f: {  	s9 =	rddreg [dreg:$0xa];
	v3 =	vadd.s32 v1, v3  }
0x40: {  	[hbm4b:s4+s2] =	stream.indirect_vreg.scatter [tilespmem:s9], [sflag:$0x1], $0x80, v4, vm0, $0xb8;
	[tilespmem:$0x12080] =	vst v63  }
0x41: {  	s0 =	rddreg [dreg:$0xb]  }
0x42: {  	[hbm4b:s5+s2] =	stream.indirect_vreg.scatter [tilespmem:s0], [sflag:$0x1], $0x80, v4, vm0, $0xb8;
	[tilespmem:$0x12080] =	vst v63  }
0x43: {  	s9 =	rddreg [dreg:$0xc]  }
0x44: {  	[hbm4b:s3+s2] =	stream.indirect_vreg.scatter [tilespmem:s9], [sflag:$0x1], $0x80, v3, vm0, $0xb8;
	[tilespmem:$0x12080] =	vst v63  }
0x45: {  	s0 =	rddreg [dreg:$0xd]  }
0x46: {  	[hbm4b:s4+s2] =	stream.indirect_vreg.scatter [tilespmem:s0], [sflag:$0x1], $0x80, v3, vm0, $0xb8;
	[tilespmem:$0x12080] =	vst v63  }
0x47: {  	s9 =	rddreg [dreg:$0xe]  }
0x48: {  	[hbm4b:s5+s2] =	stream.indirect_vreg.scatter [tilespmem:s9], [sflag:$0x1], $0x80, v3, vm0, $0xb8;
	[tilespmem:$0x12080] =	vst v63  }
0x49: {  	v3 =	vld [tilespmem:$0x20];
	_ =	sdelay $0x4  }
0x4a: {  	v60 =	vshrl.u32 v3, $0x3  }
0x4b: {  	v4 =	vmul.u32 $0x30, v60  }
0x4c: {  	v3 =	vand.u32 $0x7, v3  }
0x4d: {  	v3 =	vor.u32 v3, v4  }
0x4e: {  	v4 =	vperm.xlane v3, v0;
	_ =	sdelay $0x1  }
0x4f: {  	v4 =	vadd.s32 v1, v4;
	_ =	sdelay $0x3  }
0x50: {  	s0 =	rddreg [dreg:$0xf];
	v3 =	vperm.xlane v3, v2  }
0x51: {  	[hbm4b:s3+s2] =	stream.indirect_vreg.scatter [tilespmem:s0], [sflag:$0x1], $0x80, v4, vm0, $0xb8;
	[tilespmem:$0x12080] =	vst v63  }
0x52: {  	s9 =	rddreg [dreg:$0x10];
	v3 =	vadd.s32 v1, v3  }
0x53: {  	[hbm4b:s4+s2] =	stream.indirect_vreg.scatter [tilespmem:s9], [sflag:$0x1], $0x80, v4, vm0, $0xb8;
	[tilespmem:$0x12080] =	vst v63  }
0x54: {  	s9 =	simm.s32 $0x7080  }
0x55: {  	[hbm4b:s5+s2] =	stream.indirect_vreg.scatter [tilespmem:s9], [sflag:$0x1], $0x80, v4, vm0, $0xb8;
	[tilespmem:$0x12080] =	vst v63  }
0x56: {  	_ = 	snop  }
0x57: {  	[hbm4b:s3+s2] =	stream.indirect_vreg.scatter [tilespmem:s10], [sflag:$0x1], $0x80, v3, vm0, $0xb8;
	[tilespmem:$0x12080] =	vst v63  }
0x58: {  	_ = 	snop  }
0x59: {  	[hbm4b:s4+s2] =	stream.indirect_vreg.scatter [tilespmem:s11], [sflag:$0x1], $0x80, v3, vm0, $0xb8;
	[tilespmem:$0x12080] =	vst v63  }
0x5a: {  	_ = 	snop  }
0x5b: {  	[hbm4b:s5+s2] =	stream.indirect_vreg.scatter [tilespmem:s12], [sflag:$0x1], $0x80, v3, vm0, $0xb8;
	[tilespmem:$0x12080] =	vst v63  }
0x5c: {  	v3 =	vld [tilespmem:$0x30];
	_ =	sdelay $0x4  }
0x5d: {  	v61 =	vshrl.u32 v3, $0x3  }
0x5e: {  	v4 =	vmul.u32 $0x30, v61  }
0x5f: {  	v3 =	vand.u32 $0x7, v3  }
0x60: {  	v3 =	vor.u32 v3, v4  }
0x61: {  	v4 =	vperm.xlane v3, v0;
	_ =	sdelay $0x1  }
0x62: {  	v4 =	vadd.s32 v1, v4;
	_ =	sdelay $0x3  }
0x63: {  	v3 =	vperm.xlane v3, v2  }
0x64: {  	[hbm4b:s3+s2] =	stream.indirect_vreg.scatter [tilespmem:s13], [sflag:$0x1], $0x80, v4, vm0, $0xb8;
	[tilespmem:$0x12080] =	vst v63  }
0x65: {  	v3 =	vadd.s32 v1, v3  }
0x66: {  	[hbm4b:s4+s2] =	stream.indirect_vreg.scatter [tilespmem:s14], [sflag:$0x1], $0x80, v4, vm0, $0xb8;
	[tilespmem:$0x12080] =	vst v63  }
0x67: {  	_ = 	snop  }
0x68: {  	[hbm4b:s5+s2] =	stream.indirect_vreg.scatter [tilespmem:s15], [sflag:$0x1], $0x80, v4, vm0, $0xb8;
	[tilespmem:$0x12080] =	vst v63  }
0x69: {  	_ = 	snop  }
0x6a: {  	[hbm4b:s3+s2] =	stream.indirect_vreg.scatter [tilespmem:s16], [sflag:$0x1], $0x80, v3, vm0, $0xb8;
	[tilespmem:$0x12080] =	vst v63  }
0x6b: {  	_ = 	snop  }
0x6c: {  	[hbm4b:s4+s2] =	stream.indirect_vreg.scatter [tilespmem:s17], [sflag:$0x1], $0x80, v3, vm0, $0xb8;
	[tilespmem:$0x12080] =	vst v63  }
0x6d: {  	_ = 	snop  }
0x6e: {  	[hbm4b:s5+s2] =	stream.indirect_vreg.scatter [tilespmem:s18], [sflag:$0x1], $0x80, v3, vm0, $0xb8;
	[tilespmem:$0x12080] =	vst v63  }
0x6f: {  	v3 =	vld [tilespmem:$0x40];
	_ =	sdelay $0x4  }
0x70: {  	v62 =	vshrl.u32 v3, $0x3  }
0x71: {  	v4 =	vmul.u32 $0x30, v62  }
0x72: {  	v3 =	vand.u32 $0x7, v3  }
0x73: {  	v3 =	vor.u32 v3, v4  }
0x74: {  	v4 =	vperm.xlane v3, v0;
	_ =	sdelay $0x1  }
0x75: {  	v4 =	vadd.s32 v1, v4;
	_ =	sdelay $0x3  }
0x76: {  	v3 =	vperm.xlane v3, v2  }
0x77: {  	[hbm4b:s3+s2] =	stream.indirect_vreg.scatter [tilespmem:s19], [sflag:$0x1], $0x80, v4, vm0, $0xb8;
	[tilespmem:$0x12080] =	vst v63  }
0x78: {  	v3 =	vadd.s32 v1, v3  }
0x79: {  	[hbm4b:s4+s2] =	stream.indirect_vreg.scatter [tilespmem:s20], [sflag:$0x1], $0x80, v4, vm0, $0xb8;
	[tilespmem:$0x12080] =	vst v63  }
0x7a: {  	_ = 	snop  }
0x7b: {  	[hbm4b:s5+s2] =	stream.indirect_vreg.scatter [tilespmem:s21], [sflag:$0x1], $0x80, v4, vm0, $0xb8;
	[tilespmem:$0x12080] =	vst v63  }
0x7c: {  	_ = 	snop  }
0x7d: {  	[hbm4b:s3+s2] =	stream.indirect_vreg.scatter [tilespmem:s22], [sflag:$0x1], $0x80, v3, vm0, $0xb8;
	[tilespmem:$0x12080] =	vst v63  }
0x7e: {  	_ = 	snop  }
0x7f: {  	[hbm4b:s4+s2] =	stream.indirect_vreg.scatter [tilespmem:s23], [sflag:$0x1], $0x80, v3, vm0, $0xb8;
	[tilespmem:$0x12080] =	vst v63  }
0x80: {  	_ = 	snop  }
0x81: {  	[hbm4b:s5+s2] =	stream.indirect_vreg.scatter [tilespmem:s24], [sflag:$0x1], $0x80, v3, vm0, $0xb8;
	[tilespmem:$0x12080] =	vst v63  }
0x82: {  	v3 =	vld [tilespmem:$0x50];
	_ =	sdelay $0x4  }
0x83: {  	v63 =	vshrl.u32 v3, $0x3  }
0x84: {  	v4 =	vmul.u32 $0x30, v63  }
0x85: {  	v3 =	vand.u32 $0x7, v3  }
0x86: {  	v3 =	vor.u32 v3, v4  }
0x87: {  	v4 =	vperm.xlane v3, v0;
	_ =	sdelay $0x1  }
0x88: {  	v4 =	vadd.s32 v1, v4;
	_ =	sdelay $0x3  }
0x89: {  	v3 =	vperm.xlane v3, v2  }
0x8a: {  	[hbm4b:s3+s2] =	stream.indirect_vreg.scatter [tilespmem:s25], [sflag:$0x1], $0x80, v4, vm0, $0xb8;
	[tilespmem:$0x12080] =	vst v63  }
0x8b: {  	v3 =	vadd.s32 v1, v3  }
0x8c: {  	[hbm4b:s4+s2] =	stream.indirect_vreg.scatter [tilespmem:s26], [sflag:$0x1], $0x80, v4, vm0, $0xb8;
	[tilespmem:$0x12080] =	vst v63  }
0x8d: {  	_ = 	snop  }
0x8e: {  	[hbm4b:s5+s2] =	stream.indirect_vreg.scatter [tilespmem:s28], [sflag:$0x1], $0x80, v4, vm0, $0xb8;
	[tilespmem:$0x12080] =	vst v63  }
0x8f: {  	_ = 	snop  }
0x90: {  	[hbm4b:s3+s2] =	stream.indirect_vreg.scatter [tilespmem:s29], [sflag:$0x1], $0x80, v3, vm0, $0xb8;
	[tilespmem:$0x12080] =	vst v63  }
0x91: {  	p0 =	sne.s32 s6, $0x1  }
0x92: {  	[hbm4b:s4+s2] =	stream.indirect_vreg.scatter [tilespmem:s30], [sflag:$0x1], $0x80, v3, vm0, $0xb8;
	[tilespmem:$0x12080] =	vst v63  }
.Ltmp0:
0x93: {  	_ = 	snop;
	(pc) =	sbr.rel @p0 .LBB2_1-.Ltmp0, $4  }
0x94: {  	[hbm4b:s5+s2] =	stream.indirect_vreg.scatter [tilespmem:s31], [sflag:$0x1], $0x80, v3, vm0, $0xb8;
	[tilespmem:$0x12080] =	vst v63  }
0x95: {  	_ =	swait.ge [sflag:s1], $0x12000  }
0x96: {  	[sflag:s1] =	ssyncset.done $0x0  }
0x97: {  	s6 =	sadd.s32 $0xFFFFFFFF, s6;
	[sflag:s1] =	ssyncadd.s32 $0xFFFEE000  }
0x98: {  	_ =	sfence.sel $0x180000  }
0x99: {  	[bflag:$0x0] =	sbarrier.arrive $0xFFFF  }
0x9a: {  	_ =	strace $0x9000004A  }
0x9b: {  	s0 =	stileid.u32;
	[bflag:$0x2] =	sbarrier.arrive $0xFFFF  }
0x9c: {  	p0 =	sne.s32 s0, $0x0;
	s0 =	rddreg [dreg:$0x1]  }
0x9d: {  	s0 =	sadd.s32 @!p0 $0x100000, s0  }
0x9e: {  	[sflag:s0] =	ssyncadd.tile.s32 @!p0 $0x1;
	_ =	shalt  }
.Lfunc_end2:
_tile_overlayer_lowered:
.L_overlay_start_2:
0x9f: {  	(tag) =	ssettag $0x2  }
0xa0: {  	s0 =	rddreg [dreg:$0x0];
	s2 =	stileid.u32  }
0xa1: {  	s1 =	rddreg [dreg:$0x1];
	p0 =	sne.s32 s2, $0x0  }
0xa2: {  	s3 =	rddreg [dreg:$0x2];
	[bflag:$0x3] =	sbarrier.arrive $0xFFFF;
	s2 =	simm.s32 @!p0 $0x1C02  }
0xa3: {  	[timem:s3], [sflag:s2] =	dma.local @!p0 [hbm:s0], s1  }
0xa4: {  	s0 =	simm.s32 @!p0 $0x2  }
0xa5: {  	_ =	swait.ge @!p0 [sflag:s0], s1  }
0xa6: {  	s1 =	ssub.s32 @!p0 $0x0, s1;
	[sflag:s0] =	ssyncset.done @!p0 $0x0  }
0xa7: {  	[sflag:s0] =	ssyncadd.s32 @!p0 s1  }
0xa8: {  	[bflag:$0x3] =	sbarrier.arrive $0xFFFF  }
0xa9: {  	_ =	shalt  }

</sc_bundles>
